<compile_context>
chip_gen: v7x
topology: tpu7x:2x2x1
jax: 0.10.2.dev20260603
libtpu: 0.0.44.dev20260713+nightly
codegen_flags: <defaults>
</compile_context>

<pallas_src>
import functools

import jax
import jax.numpy as jnp
import numpy as np
from jax import lax
from jax.experimental import pallas as pl
from jax.experimental.pallas import tpu as pltpu
from jax.experimental.pallas import tpu_sc as plsc

B = 16384
F = 26
V = 100000
D = 64
N = B * F
NC = 2
NS = 16
NW = NC * NS
ROWS = N // NW
CH = 128
NCH = ROWS // CH
LANES = 16

W = 16384
S = W // 2
NBLK = -(-V // W)
V2 = NBLK * W


def _transpose_block(in_ref, out_ref):
    at0 = in_ref[0, :, :S].T
    at1 = in_ref[0, :, S:].T
    out_ref[0, :, :D] = at0
    out_ref[0, :, D:] = at1


_tc_transpose = pl.pallas_call(
    _transpose_block,
    grid=(F, NBLK),
    in_specs=[pl.BlockSpec((1, D, W), lambda f, c: (f, 0, c))],
    out_specs=pl.BlockSpec((1, S, 128), lambda f, c: (f, c, 0)),
    out_shape=jax.ShapeDtypeStruct((F, V2 // 2, 128), jnp.float32),
)

GROUP = 4
GROWS = GROUP * CH
NG = ROWS // GROWS

_mesh = plsc.VectorSubcoreMesh(
    core_axis_name="c", subcore_axis_name="s", num_cores=NC, num_subcores=NS
)


@functools.partial(
    pl.kernel,
    out_type=jax.ShapeDtypeStruct((N, D), jnp.float32),
    mesh=_mesh,
    compiler_params=pltpu.CompilerParams(use_tc_tiling_on_sc=False),
    scratch_types=[
        pltpu.VMEM((NCH, CH), jnp.int32),
        pltpu.VMEM((NCH, CH), jnp.int32),
        pltpu.VMEM((GROWS, D), jnp.float32),
        pltpu.VMEM((GROWS, D), jnp.float32),
        pltpu.SemaphoreType.DMA,
        pltpu.SemaphoreType.DMA,
        pltpu.SemaphoreType.DMA,
        pltpu.SemaphoreType.DMA,
    ],
)
def _gather_kernel(x_hbm, offs_hbm, tab_hbm, out_hbm,
                   idx_v, offs_v, buf0, buf1, gsem0, gsem1, osem0, osem1):
    wid = lax.axis_index("s") * NC + lax.axis_index("c")
    base = wid * ROWS

    pltpu.sync_copy(x_hbm.at[wid], idx_v)
    pltpu.sync_copy(offs_hbm, offs_v)

    def add_row(r, carry):
        for j in range(CH // LANES):
            sl = pl.ds(j * LANES, LANES)
            v = idx_v[r, sl]
            w = jnp.bitwise_and(v, W - 1)
            rr = jnp.bitwise_and(w, S - 1)
            jj = lax.shift_right_logical(w, np.int32(S.bit_length() - 1))
            idx_v[r, sl] = offs_v[r, sl] + (v - w) + rr + rr + jj
        return carry

    lax.fori_loop(0, NCH, add_row, 0)

    bufs = (buf0, buf1)
    gsems = (gsem0, gsem1)
    osems = (osem0, osem1)

    def fire_group(g, b):
        for j in range(GROUP):
            pltpu.async_copy(
                tab_hbm.at[idx_v.at[g * GROUP + j]],
                bufs[b].at[pl.ds(j * CH, CH)],
                gsems[b],
            )

    def wait_group(b):
        pltpu.make_async_copy(tab_hbm.at[pl.ds(0, GROWS)], bufs[b],
                              gsems[b]).wait()

    def fire_write(g, b):
        pltpu.async_copy(bufs[b], out_hbm.at[pl.ds(base + g * GROWS, GROWS)],
                         osems[b])

    def wait_write(g, b):
        pltpu.make_async_copy(bufs[b],
                              out_hbm.at[pl.ds(base + g * GROWS, GROWS)],
                              osems[b]).wait()

    fire_group(0, 0)

    def pipe(i, carry):
        g0 = 2 * i
        wait_group(0)
        fire_write(g0, 0)

        @pl.when(g0 >= 1)
        def _():
            wait_write(g0 - 1, 1)

        fire_group(g0 + 1, 1)

        g1 = g0 + 1
        wait_group(1)
        fire_write(g1, 1)

        @pl.when(g1 + 1 < NG)
        def _():
            wait_write(g1 - 1, 0)
            fire_group(g1 + 1, 0)

        return carry

    lax.fori_loop(0, NG // 2, pipe, 0)
    wait_write(NG - 2, 0)
    wait_write(NG - 1, 1)


_OFFS = ((np.arange(ROWS, dtype=np.int32) % F) * V2).reshape(NCH, CH)


@jax.jit
def kernel(x, tables):
    if x.ndim <= 1:
        x = x[None, :]
    xw = x.astype(jnp.int32).reshape(NW, NCH, CH)
    tables_t = jnp.swapaxes(tables, 1, 2)
    tab = _tc_transpose(tables_t).reshape(F * V2, D)
    out = _gather_kernel(xw, jnp.asarray(_OFFS), tab)
    return out.reshape(B, F * D)

# --- scband reference (transcript-rebuilt; emitter-appended) ---
"""Pipeline reference for scband-concatenated-embeddings-7361573945763 (READ-ONLY COPY).

The authoritative reference and input builder live on the scoring server;
editing this copy changes nothing except your own understanding.
"""

import jax, jax.numpy as jnp
import numpy as np

NUM_FIELDS = 26
VOCAB = 100000
EMB_DIM = 64
BATCH = 16384


def setup_inputs(seed: int = 0) -> dict:
    key = jax.random.key(seed)
    k_x, k_t = jax.random.split(key)
    x = jax.random.randint(k_x, (BATCH, NUM_FIELDS), 0, VOCAB, dtype=jnp.int64 if jax.config.read('jax_enable_x64') else jnp.int32)
    # 26 identical-shaped embedding tables stacked: [F, VOCAB, EMB_DIM]
    tables = jax.random.normal(k_t, (NUM_FIELDS, VOCAB, EMB_DIM), dtype=jnp.float32) * 0.05
    return {"x": x, "tables": tables}


def reference(x, tables):
    # Faithful translation of ConcatenatedEmbeddings.forward
    if x.ndim <= 1:
        x = x[None, :]
    # per-column embedding lookup (gather), then concat along feature dim
    cols = [jnp.take(tables[i], x[:, i], axis=0) for i in range(NUM_FIELDS)]
    out = jnp.concatenate(cols, axis=1)
    # dropout with p=0.0 is identity
    return out

if __name__ == "__main__":
    import jax
    _d = setup_inputs()
    print(jax.jit(kernel)(*tuple(_d.values())))

</pallas_src>

<mosaic_0001>
#map = affine_map<(d0, d1) -> (0, 0, 0)>
#map1 = affine_map<(d0, d1) -> (0, 0)>
module attributes {stable_mosaic.version = 14 : i64} {
  func.func @_gather_kernel(%arg0: i32, %arg1: i32, %arg2: memref<32x104x128xi32, #tpu.memory_space<hbm>>, %arg3: memref<104x128xi32, #tpu.memory_space<hbm>>, %arg4: memref<2981888x64xf32, #tpu.memory_space<hbm>>, %arg5: memref<425984x64xf32, #tpu.memory_space<hbm>>, %arg6: memref<104x128xi32, #tpu.memory_space<vmem>>, %arg7: memref<104x128xi32, #tpu.memory_space<vmem>>, %arg8: memref<512x64xf32, #tpu.memory_space<vmem>>, %arg9: memref<512x64xf32, #tpu.memory_space<vmem>>, %arg10: memref<!tpu.dma_semaphore, #tpu.memory_space<semaphore_mem>>, %arg11: memref<!tpu.dma_semaphore, #tpu.memory_space<semaphore_mem>>, %arg12: memref<!tpu.dma_semaphore, #tpu.memory_space<semaphore_mem>>, %arg13: memref<!tpu.dma_semaphore, #tpu.memory_space<semaphore_mem>>) attributes {dimension_semantics = [#tpu.dimension_semantics<core_parallel>, #tpu.dimension_semantics<subcore_parallel>], iteration_bounds = array<i64: 2, 16>, scalar_prefetch = 0 : i64, scratch_operands = 8 : i64, tpu.core_type = #tpu.core_type<sc_vector_subcore>, window_params = [{transform_indices = #map}, {transform_indices = #map1}, {transform_indices = #map1}, {transform_indices = #map1}]} {
    %mul3A = arith.constant 2 : i32
    %mul3A_0 = arith.muli %arg1, %mul3A : i32
    %add3A = arith.addi %mul3A_0, %arg0 : i32
    %mul3A_1 = arith.constant 13312 : i32
    %mul3A_2 = arith.muli %add3A, %mul3A_1 : i32
    "tpu.region"() ({
      %run_scoped3A = tpu.sem_alloc : memref<!tpu.dma_semaphore, #tpu.memory_space<semaphore_mem>>
      %dma_start3A_64 = arith.constant 0 : i32
      %dma_start3A_65 = arith.constant 0 : i32
      %dma_start3A_66 = tpu.memref_slice %arg2[%add3A, %dma_start3A_64, %dma_start3A_65] : memref<32x104x128xi32, #tpu.memory_space<hbm>> -> memref<1x104x128xi32, #tpu.memory_space<hbm>>
      %dma_start3A_67 = tpu.memref_squeeze %dma_start3A_66 : memref<1x104x128xi32, #tpu.memory_space<hbm>> -> memref<104x128xi32, #tpu.memory_space<hbm>>
      %dma_start3A_68 = arith.constant 0 : i32
      %dma_start3A_69 = arith.constant 0 : i32
      %dma_start3A_70 = tpu.memref_slice %arg2[%add3A, %dma_start3A_68, %dma_start3A_69] : memref<32x104x128xi32, #tpu.memory_space<hbm>> -> memref<1x104x128xi32, #tpu.memory_space<hbm>>
      %dma_start3A_71 = tpu.memref_squeeze %dma_start3A_70 : memref<1x104x128xi32, #tpu.memory_space<hbm>> -> memref<104x128xi32, #tpu.memory_space<hbm>>
      tpu.enqueue_dma source(%dma_start3A_71 : memref<104x128xi32, #tpu.memory_space<hbm>>) target(%arg6 : memref<104x128xi32, #tpu.memory_space<vmem>>) target_semaphore(%run_scoped3A : memref<!tpu.dma_semaphore, #tpu.memory_space<semaphore_mem>>)
      %dma_wait3A_72 = arith.constant 0 : i32
      %dma_wait3A_73 = arith.constant 0 : i32
      %dma_wait3A_74 = tpu.memref_slice %arg2[%add3A, %dma_wait3A_72, %dma_wait3A_73] : memref<32x104x128xi32, #tpu.memory_space<hbm>> -> memref<1x104x128xi32, #tpu.memory_space<hbm>>
      %dma_wait3A_75 = tpu.memref_squeeze %dma_wait3A_74 : memref<1x104x128xi32, #tpu.memory_space<hbm>> -> memref<104x128xi32, #tpu.memory_space<hbm>>
      %dma_wait3A_76 = arith.constant 0 : i32
      %dma_wait3A_77 = arith.constant 0 : i32
      %dma_wait3A_78 = tpu.memref_slice %arg2[%add3A, %dma_wait3A_76, %dma_wait3A_77] : memref<32x104x128xi32, #tpu.memory_space<hbm>> -> memref<1x104x128xi32, #tpu.memory_space<hbm>>
      %dma_wait3A_79 = tpu.memref_squeeze %dma_wait3A_78 : memref<1x104x128xi32, #tpu.memory_space<hbm>> -> memref<104x128xi32, #tpu.memory_space<hbm>>
      tpu.wait_dma2 semaphore(%run_scoped3A : memref<!tpu.dma_semaphore, #tpu.memory_space<semaphore_mem>>) src(%dma_wait3A_79 : memref<104x128xi32, #tpu.memory_space<hbm>>) dst(%arg6 : memref<104x128xi32, #tpu.memory_space<vmem>>)
      tpu.yield
    }) : () -> ()
    "tpu.region"() ({
      %run_scoped3A = tpu.sem_alloc : memref<!tpu.dma_semaphore, #tpu.memory_space<semaphore_mem>>
      tpu.enqueue_dma source(%arg3 : memref<104x128xi32, #tpu.memory_space<hbm>>) target(%arg7 : memref<104x128xi32, #tpu.memory_space<vmem>>) target_semaphore(%run_scoped3A : memref<!tpu.dma_semaphore, #tpu.memory_space<semaphore_mem>>)
      tpu.wait_dma2 semaphore(%run_scoped3A : memref<!tpu.dma_semaphore, #tpu.memory_space<semaphore_mem>>) src(%arg3 : memref<104x128xi32, #tpu.memory_space<hbm>>) dst(%arg7 : memref<104x128xi32, #tpu.memory_space<vmem>>)
      tpu.yield
    }) : () -> ()
    %scan3A = arith.constant 0 : i32
    %scan3A_3 = arith.constant 0 : i32
    %scan3A_4 = arith.constant 104 : i32
    %scan3A_5 = arith.addi %scan3A_3, %scan3A_4 : i32
    %scan3A_6 = arith.constant 1 : i32
    scf.for %scan3A_64 = %scan3A_3 to %scan3A_5 step %scan3A_6  : i32 {
      %get3A = arith.index_cast %scan3A_64 : i32 to index
      %get3A_65 = arith.constant 0 : index
      %get3A_66 = tpu.vector_load %arg6[%get3A, %get3A_65] {strides = array<i32>} : memref<104x128xi32, #tpu.memory_space<vmem>>, vector<1x16xi32>,
      %get3A_67 = vector.shape_cast %get3A_66 : vector<1x16xi32> to vector<16xi32>
      %and3A = arith.constant 16383 : i32
      %and3A_68 = vector.broadcast %and3A : i32 to vector<16xi32>
      %and3A_69 = arith.andi %get3A_67, %and3A_68 : vector<16xi32>
      %and3A_70 = arith.constant 8191 : i32
      %and3A_71 = vector.broadcast %and3A_70 : i32 to vector<16xi32>
      %and3A_72 = arith.andi %and3A_69, %and3A_71 : vector<16xi32>
      %shift_right_logical3A = arith.constant 13 : i32
      %shift_right_logical3A_73 = vector.broadcast %shift_right_logical3A : i32 to vector<16xi32>
      %shift_right_logical3A_74 = arith.shrui %and3A_69, %shift_right_logical3A_73 : vector<16xi32>
      %get3A_75 = arith.index_cast %scan3A_64 : i32 to index
      %get3A_76 = arith.constant 0 : index
      %get3A_77 = tpu.vector_load %arg7[%get3A_75, %get3A_76] {strides = array<i32>} : memref<104x128xi32, #tpu.memory_space<vmem>>, vector<1x16xi32>,
      %get3A_78 = vector.shape_cast %get3A_77 : vector<1x16xi32> to vector<16xi32>
      %sub3A = arith.subi %get3A_67, %and3A_69 : vector<16xi32>
      %add3A_79 = arith.addi %get3A_78, %sub3A : vector<16xi32>
      %add3A_80 = arith.addi %add3A_79, %and3A_72 : vector<16xi32>
      %add3A_81 = arith.addi %add3A_80, %and3A_72 : vector<16xi32>
      %add3A_82 = arith.addi %add3A_81, %shift_right_logical3A_74 : vector<16xi32>
      %swap3A = arith.index_cast %scan3A_64 : i32 to index
      %swap3A_83 = arith.constant 0 : index
      %swap3A_84 = tpu.vector_load %arg6[%swap3A, %swap3A_83] {strides = array<i32>} : memref<104x128xi32, #tpu.memory_space<vmem>>, vector<1x16xi32>,
      %swap3A_85 = vector.shape_cast %swap3A_84 : vector<1x16xi32> to vector<16xi32>
      %swap3A_86 = vector.shape_cast %add3A_82 : vector<16xi32> to vector<1x16xi32>
      tpu.vector_store %arg6[%swap3A, %swap3A_83], %swap3A_86 {strides = array<i32>} : memref<104x128xi32, #tpu.memory_space<vmem>>, vector<1x16xi32>,
      %get3A_87 = arith.index_cast %scan3A_64 : i32 to index
      %get3A_88 = arith.constant 16 : index
      %get3A_89 = tpu.vector_load %arg6[%get3A_87, %get3A_88] {strides = array<i32>} : memref<104x128xi32, #tpu.memory_space<vmem>>, vector<1x16xi32>,
      %get3A_90 = vector.shape_cast %get3A_89 : vector<1x16xi32> to vector<16xi32>
      %and3A_91 = arith.constant 16383 : i32
      %and3A_92 = vector.broadcast %and3A_91 : i32 to vector<16xi32>
      %and3A_93 = arith.andi %get3A_90, %and3A_92 : vector<16xi32>
      %and3A_94 = arith.constant 8191 : i32
      %and3A_95 = vector.broadcast %and3A_94 : i32 to vector<16xi32>
      %and3A_96 = arith.andi %and3A_93, %and3A_95 : vector<16xi32>
      %shift_right_logical3A_97 = arith.constant 13 : i32
      %shift_right_logical3A_98 = vector.broadcast %shift_right_logical3A_97 : i32 to vector<16xi32>
      %shift_right_logical3A_99 = arith.shrui %and3A_93, %shift_right_logical3A_98 : vector<16xi32>
      %get3A_100 = arith.index_cast %scan3A_64 : i32 to index
      %get3A_101 = arith.constant 16 : index
      %get3A_102 = tpu.vector_load %arg7[%get3A_100, %get3A_101] {strides = array<i32>} : memref<104x128xi32, #tpu.memory_space<vmem>>, vector<1x16xi32>,
      %get3A_103 = vector.shape_cast %get3A_102 : vector<1x16xi32> to vector<16xi32>
      %sub3A_104 = arith.subi %get3A_90, %and3A_93 : vector<16xi32>
      %add3A_105 = arith.addi %get3A_103, %sub3A_104 : vector<16xi32>
      %add3A_106 = arith.addi %add3A_105, %and3A_96 : vector<16xi32>
      %add3A_107 = arith.addi %add3A_106, %and3A_96 : vector<16xi32>
      %add3A_108 = arith.addi %add3A_107, %shift_right_logical3A_99 : vector<16xi32>
      %swap3A_109 = arith.index_cast %scan3A_64 : i32 to index
      %swap3A_110 = arith.constant 16 : index
      %swap3A_111 = tpu.vector_load %arg6[%swap3A_109, %swap3A_110] {strides = array<i32>} : memref<104x128xi32, #tpu.memory_space<vmem>>, vector<1x16xi32>,
      %swap3A_112 = vector.shape_cast %swap3A_111 : vector<1x16xi32> to vector<16xi32>
      %swap3A_113 = vector.shape_cast %add3A_108 : vector<16xi32> to vector<1x16xi32>
      tpu.vector_store %arg6[%swap3A_109, %swap3A_110], %swap3A_113 {strides = array<i32>} : memref<104x128xi32, #tpu.memory_space<vmem>>, vector<1x16xi32>,
      %get3A_114 = arith.index_cast %scan3A_64 : i32 to index
      %get3A_115 = arith.constant 32 : index
      %get3A_116 = tpu.vector_load %arg6[%get3A_114, %get3A_115] {strides = array<i32>} : memref<104x128xi32, #tpu.memory_space<vmem>>, vector<1x16xi32>,
      %get3A_117 = vector.shape_cast %get3A_116 : vector<1x16xi32> to vector<16xi32>
      %and3A_118 = arith.constant 16383 : i32
      %and3A_119 = vector.broadcast %and3A_118 : i32 to vector<16xi32>
      %and3A_120 = arith.andi %get3A_117, %and3A_119 : vector<16xi32>
      %and3A_121 = arith.constant 8191 : i32
      %and3A_122 = vector.broadcast %and3A_121 : i32 to vector<16xi32>
      %and3A_123 = arith.andi %and3A_120, %and3A_122 : vector<16xi32>
      %shift_right_logical3A_124 = arith.constant 13 : i32
      %shift_right_logical3A_125 = vector.broadcast %shift_right_logical3A_124 : i32 to vector<16xi32>
      %shift_right_logical3A_126 = arith.shrui %and3A_120, %shift_right_logical3A_125 : vector<16xi32>
      %get3A_127 = arith.index_cast %scan3A_64 : i32 to index
      %get3A_128 = arith.constant 32 : index
      %get3A_129 = tpu.vector_load %arg7[%get3A_127, %get3A_128] {strides = array<i32>} : memref<104x128xi32, #tpu.memory_space<vmem>>, vector<1x16xi32>,
      %get3A_130 = vector.shape_cast %get3A_129 : vector<1x16xi32> to vector<16xi32>
      %sub3A_131 = arith.subi %get3A_117, %and3A_120 : vector<16xi32>
      %add3A_132 = arith.addi %get3A_130, %sub3A_131 : vector<16xi32>
      %add3A_133 = arith.addi %add3A_132, %and3A_123 : vector<16xi32>
      %add3A_134 = arith.addi %add3A_133, %and3A_123 : vector<16xi32>
      %add3A_135 = arith.addi %add3A_134, %shift_right_logical3A_126 : vector<16xi32>
      %swap3A_136 = arith.index_cast %scan3A_64 : i32 to index
      %swap3A_137 = arith.constant 32 : index
      %swap3A_138 = tpu.vector_load %arg6[%swap3A_136, %swap3A_137] {strides = array<i32>} : memref<104x128xi32, #tpu.memory_space<vmem>>, vector<1x16xi32>,
      %swap3A_139 = vector.shape_cast %swap3A_138 : vector<1x16xi32> to vector<16xi32>
      %swap3A_140 = vector.shape_cast %add3A_135 : vector<16xi32> to vector<1x16xi32>
      tpu.vector_store %arg6[%swap3A_136, %swap3A_137], %swap3A_140 {strides = array<i32>} : memref<104x128xi32, #tpu.memory_space<vmem>>, vector<1x16xi32>,
      %get3A_141 = arith.index_cast %scan3A_64 : i32 to index
      %get3A_142 = arith.constant 48 : index
      %get3A_143 = tpu.vector_load %arg6[%get3A_141, %get3A_142] {strides = array<i32>} : memref<104x128xi32, #tpu.memory_space<vmem>>, vector<1x16xi32>,
      %get3A_144 = vector.shape_cast %get3A_143 : vector<1x16xi32> to vector<16xi32>
      %and3A_145 = arith.constant 16383 : i32
      %and3A_146 = vector.broadcast %and3A_145 : i32 to vector<16xi32>
      %and3A_147 = arith.andi %get3A_144, %and3A_146 : vector<16xi32>
      %and3A_148 = arith.constant 8191 : i32
      %and3A_149 = vector.broadcast %and3A_148 : i32 to vector<16xi32>
      %and3A_150 = arith.andi %and3A_147, %and3A_149 : vector<16xi32>
      %shift_right_logical3A_151 = arith.constant 13 : i32
      %shift_right_logical3A_152 = vector.broadcast %shift_right_logical3A_151 : i32 to vector<16xi32>
      %shift_right_logical3A_153 = arith.shrui %and3A_147, %shift_right_logical3A_152 : vector<16xi32>
      %get3A_154 = arith.index_cast %scan3A_64 : i32 to index
      %get3A_155 = arith.constant 48 : index
      %get3A_156 = tpu.vector_load %arg7[%get3A_154, %get3A_155] {strides = array<i32>} : memref<104x128xi32, #tpu.memory_space<vmem>>, vector<1x16xi32>,
      %get3A_157 = vector.shape_cast %get3A_156 : vector<1x16xi32> to vector<16xi32>
      %sub3A_158 = arith.subi %get3A_144, %and3A_147 : vector<16xi32>
      %add3A_159 = arith.addi %get3A_157, %sub3A_158 : vector<16xi32>
      %add3A_160 = arith.addi %add3A_159, %and3A_150 : vector<16xi32>
      %add3A_161 = arith.addi %add3A_160, %and3A_150 : vector<16xi32>
      %add3A_162 = arith.addi %add3A_161, %shift_right_logical3A_153 : vector<16xi32>
      %swap3A_163 = arith.index_cast %scan3A_64 : i32 to index
      %swap3A_164 = arith.constant 48 : index
      %swap3A_165 = tpu.vector_load %arg6[%swap3A_163, %swap3A_164] {strides = array<i32>} : memref<104x128xi32, #tpu.memory_space<vmem>>, vector<1x16xi32>,
      %swap3A_166 = vector.shape_cast %swap3A_165 : vector<1x16xi32> to vector<16xi32>
      %swap3A_167 = vector.shape_cast %add3A_162 : vector<16xi32> to vector<1x16xi32>
      tpu.vector_store %arg6[%swap3A_163, %swap3A_164], %swap3A_167 {strides = array<i32>} : memref<104x128xi32, #tpu.memory_space<vmem>>, vector<1x16xi32>,
      %get3A_168 = arith.index_cast %scan3A_64 : i32 to index
      %get3A_169 = arith.constant 64 : index
      %get3A_170 = tpu.vector_load %arg6[%get3A_168, %get3A_169] {strides = array<i32>} : memref<104x128xi32, #tpu.memory_space<vmem>>, vector<1x16xi32>,
      %get3A_171 = vector.shape_cast %get3A_170 : vector<1x16xi32> to vector<16xi32>
      %and3A_172 = arith.constant 16383 : i32
      %and3A_173 = vector.broadcast %and3A_172 : i32 to vector<16xi32>
      %and3A_174 = arith.andi %get3A_171, %and3A_173 : vector<16xi32>
      %and3A_175 = arith.constant 8191 : i32
      %and3A_176 = vector.broadcast %and3A_175 : i32 to vector<16xi32>
      %and3A_177 = arith.andi %and3A_174, %and3A_176 : vector<16xi32>
      %shift_right_logical3A_178 = arith.constant 13 : i32
      %shift_right_logical3A_179 = vector.broadcast %shift_right_logical3A_178 : i32 to vector<16xi32>
      %shift_right_logical3A_180 = arith.shrui %and3A_174, %shift_right_logical3A_179 : vector<16xi32>
      %get3A_181 = arith.index_cast %scan3A_64 : i32 to index
      %get3A_182 = arith.constant 64 : index
      %get3A_183 = tpu.vector_load %arg7[%get3A_181, %get3A_182] {strides = array<i32>} : memref<104x128xi32, #tpu.memory_space<vmem>>, vector<1x16xi32>,
      %get3A_184 = vector.shape_cast %get3A_183 : vector<1x16xi32> to vector<16xi32>
      %sub3A_185 = arith.subi %get3A_171, %and3A_174 : vector<16xi32>
      %add3A_186 = arith.addi %get3A_184, %sub3A_185 : vector<16xi32>
      %add3A_187 = arith.addi %add3A_186, %and3A_177 : vector<16xi32>
      %add3A_188 = arith.addi %add3A_187, %and3A_177 : vector<16xi32>
      %add3A_189 = arith.addi %add3A_188, %shift_right_logical3A_180 : vector<16xi32>
      %swap3A_190 = arith.index_cast %scan3A_64 : i32 to index
      %swap3A_191 = arith.constant 64 : index
      %swap3A_192 = tpu.vector_load %arg6[%swap3A_190, %swap3A_191] {strides = array<i32>} : memref<104x128xi32, #tpu.memory_space<vmem>>, vector<1x16xi32>,
      %swap3A_193 = vector.shape_cast %swap3A_192 : vector<1x16xi32> to vector<16xi32>
      %swap3A_194 = vector.shape_cast %add3A_189 : vector<16xi32> to vector<1x16xi32>
      tpu.vector_store %arg6[%swap3A_190, %swap3A_191], %swap3A_194 {strides = array<i32>} : memref<104x128xi32, #tpu.memory_space<vmem>>, vector<1x16xi32>,
      %get3A_195 = arith.index_cast %scan3A_64 : i32 to index
      %get3A_196 = arith.constant 80 : index
      %get3A_197 = tpu.vector_load %arg6[%get3A_195, %get3A_196] {strides = array<i32>} : memref<104x128xi32, #tpu.memory_space<vmem>>, vector<1x16xi32>,
      %get3A_198 = vector.shape_cast %get3A_197 : vector<1x16xi32> to vector<16xi32>
      %and3A_199 = arith.constant 16383 : i32
      %and3A_200 = vector.broadcast %and3A_199 : i32 to vector<16xi32>
      %and3A_201 = arith.andi %get3A_198, %and3A_200 : vector<16xi32>
      %and3A_202 = arith.constant 8191 : i32
      %and3A_203 = vector.broadcast %and3A_202 : i32 to vector<16xi32>
      %and3A_204 = arith.andi %and3A_201, %and3A_203 : vector<16xi32>
      %shift_right_logical3A_205 = arith.constant 13 : i32
      %shift_right_logical3A_206 = vector.broadcast %shift_right_logical3A_205 : i32 to vector<16xi32>
      %shift_right_logical3A_207 = arith.shrui %and3A_201, %shift_right_logical3A_206 : vector<16xi32>
      %get3A_208 = arith.index_cast %scan3A_64 : i32 to index
      %get3A_209 = arith.constant 80 : index
      %get3A_210 = tpu.vector_load %arg7[%get3A_208, %get3A_209] {strides = array<i32>} : memref<104x128xi32, #tpu.memory_space<vmem>>, vector<1x16xi32>,
      %get3A_211 = vector.shape_cast %get3A_210 : vector<1x16xi32> to vector<16xi32>
      %sub3A_212 = arith.subi %get3A_198, %and3A_201 : vector<16xi32>
      %add3A_213 = arith.addi %get3A_211, %sub3A_212 : vector<16xi32>
      %add3A_214 = arith.addi %add3A_213, %and3A_204 : vector<16xi32>
      %add3A_215 = arith.addi %add3A_214, %and3A_204 : vector<16xi32>
      %add3A_216 = arith.addi %add3A_215, %shift_right_logical3A_207 : vector<16xi32>
      %swap3A_217 = arith.index_cast %scan3A_64 : i32 to index
      %swap3A_218 = arith.constant 80 : index
      %swap3A_219 = tpu.vector_load %arg6[%swap3A_217, %swap3A_218] {strides = array<i32>} : memref<104x128xi32, #tpu.memory_space<vmem>>, vector<1x16xi32>,
      %swap3A_220 = vector.shape_cast %swap3A_219 : vector<1x16xi32> to vector<16xi32>
      %swap3A_221 = vector.shape_cast %add3A_216 : vector<16xi32> to vector<1x16xi32>
      tpu.vector_store %arg6[%swap3A_217, %swap3A_218], %swap3A_221 {strides = array<i32>} : memref<104x128xi32, #tpu.memory_space<vmem>>, vector<1x16xi32>,
      %get3A_222 = arith.index_cast %scan3A_64 : i32 to index
      %get3A_223 = arith.constant 96 : index
      %get3A_224 = tpu.vector_load %arg6[%get3A_222, %get3A_223] {strides = array<i32>} : memref<104x128xi32, #tpu.memory_space<vmem>>, vector<1x16xi32>,
      %get3A_225 = vector.shape_cast %get3A_224 : vector<1x16xi32> to vector<16xi32>
      %and3A_226 = arith.constant 16383 : i32
      %and3A_227 = vector.broadcast %and3A_226 : i32 to vector<16xi32>
      %and3A_228 = arith.andi %get3A_225, %and3A_227 : vector<16xi32>
      %and3A_229 = arith.constant 8191 : i32
      %and3A_230 = vector.broadcast %and3A_229 : i32 to vector<16xi32>
      %and3A_231 = arith.andi %and3A_228, %and3A_230 : vector<16xi32>
      %shift_right_logical3A_232 = arith.constant 13 : i32
      %shift_right_logical3A_233 = vector.broadcast %shift_right_logical3A_232 : i32 to vector<16xi32>
      %shift_right_logical3A_234 = arith.shrui %and3A_228, %shift_right_logical3A_233 : vector<16xi32>
      %get3A_235 = arith.index_cast %scan3A_64 : i32 to index
      %get3A_236 = arith.constant 96 : index
      %get3A_237 = tpu.vector_load %arg7[%get3A_235, %get3A_236] {strides = array<i32>} : memref<104x128xi32, #tpu.memory_space<vmem>>, vector<1x16xi32>,
      %get3A_238 = vector.shape_cast %get3A_237 : vector<1x16xi32> to vector<16xi32>
      %sub3A_239 = arith.subi %get3A_225, %and3A_228 : vector<16xi32>
      %add3A_240 = arith.addi %get3A_238, %sub3A_239 : vector<16xi32>
      %add3A_241 = arith.addi %add3A_240, %and3A_231 : vector<16xi32>
      %add3A_242 = arith.addi %add3A_241, %and3A_231 : vector<16xi32>
      %add3A_243 = arith.addi %add3A_242, %shift_right_logical3A_234 : vector<16xi32>
      %swap3A_244 = arith.index_cast %scan3A_64 : i32 to index
      %swap3A_245 = arith.constant 96 : index
      %swap3A_246 = tpu.vector_load %arg6[%swap3A_244, %swap3A_245] {strides = array<i32>} : memref<104x128xi32, #tpu.memory_space<vmem>>, vector<1x16xi32>,
      %swap3A_247 = vector.shape_cast %swap3A_246 : vector<1x16xi32> to vector<16xi32>
      %swap3A_248 = vector.shape_cast %add3A_243 : vector<16xi32> to vector<1x16xi32>
      tpu.vector_store %arg6[%swap3A_244, %swap3A_245], %swap3A_248 {strides = array<i32>} : memref<104x128xi32, #tpu.memory_space<vmem>>, vector<1x16xi32>,
      %get3A_249 = arith.index_cast %scan3A_64 : i32 to index
      %get3A_250 = arith.constant 112 : index
      %get3A_251 = tpu.vector_load %arg6[%get3A_249, %get3A_250] {strides = array<i32>} : memref<104x128xi32, #tpu.memory_space<vmem>>, vector<1x16xi32>,
      %get3A_252 = vector.shape_cast %get3A_251 : vector<1x16xi32> to vector<16xi32>
      %and3A_253 = arith.constant 16383 : i32
      %and3A_254 = vector.broadcast %and3A_253 : i32 to vector<16xi32>
      %and3A_255 = arith.andi %get3A_252, %and3A_254 : vector<16xi32>
      %and3A_256 = arith.constant 8191 : i32
      %and3A_257 = vector.broadcast %and3A_256 : i32 to vector<16xi32>
      %and3A_258 = arith.andi %and3A_255, %and3A_257 : vector<16xi32>
      %shift_right_logical3A_259 = arith.constant 13 : i32
      %shift_right_logical3A_260 = vector.broadcast %shift_right_logical3A_259 : i32 to vector<16xi32>
      %shift_right_logical3A_261 = arith.shrui %and3A_255, %shift_right_logical3A_260 : vector<16xi32>
      %get3A_262 = arith.index_cast %scan3A_64 : i32 to index
      %get3A_263 = arith.constant 112 : index
      %get3A_264 = tpu.vector_load %arg7[%get3A_262, %get3A_263] {strides = array<i32>} : memref<104x128xi32, #tpu.memory_space<vmem>>, vector<1x16xi32>,
      %get3A_265 = vector.shape_cast %get3A_264 : vector<1x16xi32> to vector<16xi32>
      %sub3A_266 = arith.subi %get3A_252, %and3A_255 : vector<16xi32>
      %add3A_267 = arith.addi %get3A_265, %sub3A_266 : vector<16xi32>
      %add3A_268 = arith.addi %add3A_267, %and3A_258 : vector<16xi32>
      %add3A_269 = arith.addi %add3A_268, %and3A_258 : vector<16xi32>
      %add3A_270 = arith.addi %add3A_269, %shift_right_logical3A_261 : vector<16xi32>
      %swap3A_271 = arith.index_cast %scan3A_64 : i32 to index
      %swap3A_272 = arith.constant 112 : index
      %swap3A_273 = tpu.vector_load %arg6[%swap3A_271, %swap3A_272] {strides = array<i32>} : memref<104x128xi32, #tpu.memory_space<vmem>>, vector<1x16xi32>,
      %swap3A_274 = vector.shape_cast %swap3A_273 : vector<1x16xi32> to vector<16xi32>
      %swap3A_275 = vector.shape_cast %add3A_270 : vector<16xi32> to vector<1x16xi32>
      tpu.vector_store %arg6[%swap3A_271, %swap3A_272], %swap3A_275 {strides = array<i32>} : memref<104x128xi32, #tpu.memory_space<vmem>>, vector<1x16xi32>,
    }
    %scan3A_7 = arith.constant 104 : i32
    %dma_start3A = arith.constant 0 : i32
    %dma_start3A_8 = arith.constant 0 : i32
    %dma_start3A_9 = arith.constant 0 : i32
    %dma_start3A_10 = tpu.memref_slice %arg8[%dma_start3A_8, %dma_start3A_9] : memref<512x64xf32, #tpu.memory_space<vmem>> -> memref<128x64xf32, #tpu.memory_space<vmem>>
    %dma_start3A_11 = arith.constant 0 : i32
    %dma_start3A_12 = tpu.memref_slice %arg6[%dma_start3A, %dma_start3A_11] : memref<104x128xi32, #tpu.memory_space<vmem>> -> memref<1x128xi32, #tpu.memory_space<vmem>>
    %dma_start3A_13 = tpu.memref_squeeze %dma_start3A_12 : memref<1x128xi32, #tpu.memory_space<vmem>> -> memref<128xi32, #tpu.memory_space<vmem>>
    %dma_start3A_14 = arith.constant 0 : i32
    %dma_start3A_15 = arith.constant 0 : i32
    %dma_start3A_16 = tpu.memref_slice %arg4[%dma_start3A_14, %dma_start3A_15] : memref<2981888x64xf32, #tpu.memory_space<hbm>> -> memref<2981888x64xf32, #tpu.memory_space<hbm>>
    tpu.enqueue_indirect_dma source(%dma_start3A_16 : memref<2981888x64xf32, #tpu.memory_space<hbm>>) target(%dma_start3A_10 : memref<128x64xf32, #tpu.memory_space<vmem>>) offsets(%dma_start3A_13 : memref<128xi32, #tpu.memory_space<vmem>>) semaphore(%arg10 : memref<!tpu.dma_semaphore, #tpu.memory_space<semaphore_mem>>)
    %dma_start3A_17 = arith.constant 1 : i32
    %dma_start3A_18 = arith.constant 128 : i32
    %dma_start3A_19 = arith.constant 0 : i32
    %dma_start3A_20 = tpu.memref_slice %arg8[%dma_start3A_18, %dma_start3A_19] : memref<512x64xf32, #tpu.memory_space<vmem>> -> memref<128x64xf32, #tpu.memory_space<vmem>>
    %dma_start3A_21 = arith.constant 0 : i32
    %dma_start3A_22 = tpu.memref_slice %arg6[%dma_start3A_17, %dma_start3A_21] : memref<104x128xi32, #tpu.memory_space<vmem>> -> memref<1x128xi32, #tpu.memory_space<vmem>>
    %dma_start3A_23 = tpu.memref_squeeze %dma_start3A_22 : memref<1x128xi32, #tpu.memory_space<vmem>> -> memref<128xi32, #tpu.memory_space<vmem>>
    %dma_start3A_24 = arith.constant 0 : i32
    %dma_start3A_25 = arith.constant 0 : i32
    %dma_start3A_26 = tpu.memref_slice %arg4[%dma_start3A_24, %dma_start3A_25] : memref<2981888x64xf32, #tpu.memory_space<hbm>> -> memref<2981888x64xf32, #tpu.memory_space<hbm>>
    tpu.enqueue_indirect_dma source(%dma_start3A_26 : memref<2981888x64xf32, #tpu.memory_space<hbm>>) target(%dma_start3A_20 : memref<128x64xf32, #tpu.memory_space<vmem>>) offsets(%dma_start3A_23 : memref<128xi32, #tpu.memory_space<vmem>>) semaphore(%arg10 : memref<!tpu.dma_semaphore, #tpu.memory_space<semaphore_mem>>)
    %dma_start3A_27 = arith.constant 2 : i32
    %dma_start3A_28 = arith.constant 256 : i32
    %dma_start3A_29 = arith.constant 0 : i32
    %dma_start3A_30 = tpu.memref_slice %arg8[%dma_start3A_28, %dma_start3A_29] : memref<512x64xf32, #tpu.memory_space<vmem>> -> memref<128x64xf32, #tpu.memory_space<vmem>>
    %dma_start3A_31 = arith.constant 0 : i32
    %dma_start3A_32 = tpu.memref_slice %arg6[%dma_start3A_27, %dma_start3A_31] : memref<104x128xi32, #tpu.memory_space<vmem>> -> memref<1x128xi32, #tpu.memory_space<vmem>>
    %dma_start3A_33 = tpu.memref_squeeze %dma_start3A_32 : memref<1x128xi32, #tpu.memory_space<vmem>> -> memref<128xi32, #tpu.memory_space<vmem>>
    %dma_start3A_34 = arith.constant 0 : i32
    %dma_start3A_35 = arith.constant 0 : i32
    %dma_start3A_36 = tpu.memref_slice %arg4[%dma_start3A_34, %dma_start3A_35] : memref<2981888x64xf32, #tpu.memory_space<hbm>> -> memref<2981888x64xf32, #tpu.memory_space<hbm>>
    tpu.enqueue_indirect_dma source(%dma_start3A_36 : memref<2981888x64xf32, #tpu.memory_space<hbm>>) target(%dma_start3A_30 : memref<128x64xf32, #tpu.memory_space<vmem>>) offsets(%dma_start3A_33 : memref<128xi32, #tpu.memory_space<vmem>>) semaphore(%arg10 : memref<!tpu.dma_semaphore, #tpu.memory_space<semaphore_mem>>)
    %dma_start3A_37 = arith.constant 3 : i32
    %dma_start3A_38 = arith.constant 384 : i32
    %dma_start3A_39 = arith.constant 0 : i32
    %dma_start3A_40 = tpu.memref_slice %arg8[%dma_start3A_38, %dma_start3A_39] : memref<512x64xf32, #tpu.memory_space<vmem>> -> memref<128x64xf32, #tpu.memory_space<vmem>>
    %dma_start3A_41 = arith.constant 0 : i32
    %dma_start3A_42 = tpu.memref_slice %arg6[%dma_start3A_37, %dma_start3A_41] : memref<104x128xi32, #tpu.memory_space<vmem>> -> memref<1x128xi32, #tpu.memory_space<vmem>>
    %dma_start3A_43 = tpu.memref_squeeze %dma_start3A_42 : memref<1x128xi32, #tpu.memory_space<vmem>> -> memref<128xi32, #tpu.memory_space<vmem>>
    %dma_start3A_44 = arith.constant 0 : i32
    %dma_start3A_45 = arith.constant 0 : i32
    %dma_start3A_46 = tpu.memref_slice %arg4[%dma_start3A_44, %dma_start3A_45] : memref<2981888x64xf32, #tpu.memory_space<hbm>> -> memref<2981888x64xf32, #tpu.memory_space<hbm>>
    tpu.enqueue_indirect_dma source(%dma_start3A_46 : memref<2981888x64xf32, #tpu.memory_space<hbm>>) target(%dma_start3A_40 : memref<128x64xf32, #tpu.memory_space<vmem>>) offsets(%dma_start3A_43 : memref<128xi32, #tpu.memory_space<vmem>>) semaphore(%arg10 : memref<!tpu.dma_semaphore, #tpu.memory_space<semaphore_mem>>)
    %scan3A_47 = arith.constant 0 : i32
    %scan3A_48 = arith.constant 0 : i32
    %scan3A_49 = arith.constant 13 : i32
    %scan3A_50 = arith.addi %scan3A_48, %scan3A_49 : i32
    %scan3A_51 = arith.constant 1 : i32
    scf.for %scan3A_64 = %scan3A_48 to %scan3A_50 step %scan3A_51  : i32 {
      %mul3A_65 = arith.constant 2 : i32
      %mul3A_66 = arith.muli %mul3A_65, %scan3A_64 : i32
      %dma_wait3A_67 = arith.constant 0 : i32
      %dma_wait3A_68 = arith.constant 0 : i32
      %dma_wait3A_69 = tpu.memref_slice %arg4[%dma_wait3A_67, %dma_wait3A_68] : memref<2981888x64xf32, #tpu.memory_space<hbm>> -> memref<512x64xf32, #tpu.memory_space<hbm>>
      %dma_wait3A_70 = arith.constant 0 : i32
      %dma_wait3A_71 = arith.constant 0 : i32
      %dma_wait3A_72 = tpu.memref_slice %arg4[%dma_wait3A_70, %dma_wait3A_71] : memref<2981888x64xf32, #tpu.memory_space<hbm>> -> memref<512x64xf32, #tpu.memory_space<hbm>>
      tpu.wait_dma2 semaphore(%arg10 : memref<!tpu.dma_semaphore, #tpu.memory_space<semaphore_mem>>) src(%dma_wait3A_72 : memref<512x64xf32, #tpu.memory_space<hbm>>) dst(%arg8 : memref<512x64xf32, #tpu.memory_space<vmem>>)
      %mul3A_73 = arith.constant 512 : i32
      %mul3A_74 = arith.muli %mul3A_66, %mul3A_73 : i32
      %add3A_75 = arith.addi %mul3A_2, %mul3A_74 : i32
      %dma_start3A_76 = arith.constant 0 : i32
      %dma_start3A_77 = tpu.memref_slice %arg5[%add3A_75, %dma_start3A_76] : memref<425984x64xf32, #tpu.memory_space<hbm>> -> memref<512x64xf32, #tpu.memory_space<hbm>>
      %dma_start3A_78 = arith.constant 0 : i32
      %dma_start3A_79 = tpu.memref_slice %arg5[%add3A_75, %dma_start3A_78] : memref<425984x64xf32, #tpu.memory_space<hbm>> -> memref<512x64xf32, #tpu.memory_space<hbm>>
      tpu.enqueue_dma source(%arg8 : memref<512x64xf32, #tpu.memory_space<vmem>>) target(%dma_start3A_79 : memref<512x64xf32, #tpu.memory_space<hbm>>) target_semaphore(%arg12 : memref<!tpu.dma_semaphore, #tpu.memory_space<semaphore_mem>>)
      %ge3A = arith.constant 1 : i32
      %ge3A_80 = arith.cmpi sge, %mul3A_66, %ge3A : i32
      %convert_element_type3A = arith.extui %ge3A_80 : i1 to i32
      %cond3A = arith.constant 0 : i32
      %cond3A_81 = arith.cmpi ne, %convert_element_type3A, %cond3A : i32
      scf.if %cond3A_81 {
        %sub3A = arith.constant 1 : i32
        %sub3A_157 = arith.subi %mul3A_66, %sub3A : i32
        %mul3A_158 = arith.constant 512 : i32
        %mul3A_159 = arith.muli %sub3A_157, %mul3A_158 : i32
        %add3A_160 = arith.addi %mul3A_2, %mul3A_159 : i32
        %dma_wait3A_161 = arith.constant 0 : i32
        %dma_wait3A_162 = tpu.memref_slice %arg5[%add3A_160, %dma_wait3A_161] : memref<425984x64xf32, #tpu.memory_space<hbm>> -> memref<512x64xf32, #tpu.memory_space<hbm>>
        %dma_wait3A_163 = arith.constant 0 : i32
        %dma_wait3A_164 = tpu.memref_slice %arg5[%add3A_160, %dma_wait3A_163] : memref<425984x64xf32, #tpu.memory_space<hbm>> -> memref<512x64xf32, #tpu.memory_space<hbm>>
        tpu.wait_dma2 semaphore(%arg13 : memref<!tpu.dma_semaphore, #tpu.memory_space<semaphore_mem>>) src(%arg9 : memref<512x64xf32, #tpu.memory_space<vmem>>) dst(%dma_wait3A_164 : memref<512x64xf32, #tpu.memory_space<hbm>>)
      } else {
      }
      %add3A_82 = arith.constant 1 : i32
      %add3A_83 = arith.addi %mul3A_66, %add3A_82 : i32
      %mul3A_84 = arith.constant 4 : i32
      %mul3A_85 = arith.muli %add3A_83, %mul3A_84 : i32
      %add3A_86 = arith.constant 0 : i32
      %add3A_87 = arith.addi %mul3A_85, %add3A_86 : i32
      %dma_start3A_88 = arith.constant 0 : i32
      %dma_start3A_89 = arith.constant 0 : i32
      %dma_start3A_90 = tpu.memref_slice %arg9[%dma_start3A_88, %dma_start3A_89] : memref<512x64xf32, #tpu.memory_space<vmem>> -> memref<128x64xf32, #tpu.memory_space<vmem>>
      %dma_start3A_91 = arith.constant 0 : i32
      %dma_start3A_92 = tpu.memref_slice %arg6[%add3A_87, %dma_start3A_91] : memref<104x128xi32, #tpu.memory_space<vmem>> -> memref<1x128xi32, #tpu.memory_space<vmem>>
      %dma_start3A_93 = tpu.memref_squeeze %dma_start3A_92 : memref<1x128xi32, #tpu.memory_space<vmem>> -> memref<128xi32, #tpu.memory_space<vmem>>
      %dma_start3A_94 = arith.constant 0 : i32
      %dma_start3A_95 = arith.constant 0 : i32
      %dma_start3A_96 = tpu.memref_slice %arg4[%dma_start3A_94, %dma_start3A_95] : memref<2981888x64xf32, #tpu.memory_space<hbm>> -> memref<2981888x64xf32, #tpu.memory_space<hbm>>
      tpu.enqueue_indirect_dma source(%dma_start3A_96 : memref<2981888x64xf32, #tpu.memory_space<hbm>>) target(%dma_start3A_90 : memref<128x64xf32, #tpu.memory_space<vmem>>) offsets(%dma_start3A_93 : memref<128xi32, #tpu.memory_space<vmem>>) semaphore(%arg11 : memref<!tpu.dma_semaphore, #tpu.memory_space<semaphore_mem>>)
      %mul3A_97 = arith.constant 4 : i32
      %mul3A_98 = arith.muli %add3A_83, %mul3A_97 : i32
      %add3A_99 = arith.constant 1 : i32
      %add3A_100 = arith.addi %mul3A_98, %add3A_99 : i32
      %dma_start3A_101 = arith.constant 128 : i32
      %dma_start3A_102 = arith.constant 0 : i32
      %dma_start3A_103 = tpu.memref_slice %arg9[%dma_start3A_101, %dma_start3A_102] : memref<512x64xf32, #tpu.memory_space<vmem>> -> memref<128x64xf32, #tpu.memory_space<vmem>>
      %dma_start3A_104 = arith.constant 0 : i32
      %dma_start3A_105 = tpu.memref_slice %arg6[%add3A_100, %dma_start3A_104] : memref<104x128xi32, #tpu.memory_space<vmem>> -> memref<1x128xi32, #tpu.memory_space<vmem>>
      %dma_start3A_106 = tpu.memref_squeeze %dma_start3A_105 : memref<1x128xi32, #tpu.memory_space<vmem>> -> memref<128xi32, #tpu.memory_space<vmem>>
      %dma_start3A_107 = arith.constant 0 : i32
      %dma_start3A_108 = arith.constant 0 : i32
      %dma_start3A_109 = tpu.memref_slice %arg4[%dma_start3A_107, %dma_start3A_108] : memref<2981888x64xf32, #tpu.memory_space<hbm>> -> memref<2981888x64xf32, #tpu.memory_space<hbm>>
      tpu.enqueue_indirect_dma source(%dma_start3A_109 : memref<2981888x64xf32, #tpu.memory_space<hbm>>) target(%dma_start3A_103 : memref<128x64xf32, #tpu.memory_space<vmem>>) offsets(%dma_start3A_106 : memref<128xi32, #tpu.memory_space<vmem>>) semaphore(%arg11 : memref<!tpu.dma_semaphore, #tpu.memory_space<semaphore_mem>>)
      %mul3A_110 = arith.constant 4 : i32
      %mul3A_111 = arith.muli %add3A_83, %mul3A_110 : i32
      %add3A_112 = arith.constant 2 : i32
      %add3A_113 = arith.addi %mul3A_111, %add3A_112 : i32
      %dma_start3A_114 = arith.constant 256 : i32
      %dma_start3A_115 = arith.constant 0 : i32
      %dma_start3A_116 = tpu.memref_slice %arg9[%dma_start3A_114, %dma_start3A_115] : memref<512x64xf32, #tpu.memory_space<vmem>> -> memref<128x64xf32, #tpu.memory_space<vmem>>
      %dma_start3A_117 = arith.constant 0 : i32
      %dma_start3A_118 = tpu.memref_slice %arg6[%add3A_113, %dma_start3A_117] : memref<104x128xi32, #tpu.memory_space<vmem>> -> memref<1x128xi32, #tpu.memory_space<vmem>>
      %dma_start3A_119 = tpu.memref_squeeze %dma_start3A_118 : memref<1x128xi32, #tpu.memory_space<vmem>> -> memref<128xi32, #tpu.memory_space<vmem>>
      %dma_start3A_120 = arith.constant 0 : i32
      %dma_start3A_121 = arith.constant 0 : i32
      %dma_start3A_122 = tpu.memref_slice %arg4[%dma_start3A_120, %dma_start3A_121] : memref<2981888x64xf32, #tpu.memory_space<hbm>> -> memref<2981888x64xf32, #tpu.memory_space<hbm>>
      tpu.enqueue_indirect_dma source(%dma_start3A_122 : memref<2981888x64xf32, #tpu.memory_space<hbm>>) target(%dma_start3A_116 : memref<128x64xf32, #tpu.memory_space<vmem>>) offsets(%dma_start3A_119 : memref<128xi32, #tpu.memory_space<vmem>>) semaphore(%arg11 : memref<!tpu.dma_semaphore, #tpu.memory_space<semaphore_mem>>)
      %mul3A_123 = arith.constant 4 : i32
      %mul3A_124 = arith.muli %add3A_83, %mul3A_123 : i32
      %add3A_125 = arith.constant 3 : i32
      %add3A_126 = arith.addi %mul3A_124, %add3A_125 : i32
      %dma_start3A_127 = arith.constant 384 : i32
      %dma_start3A_128 = arith.constant 0 : i32
      %dma_start3A_129 = tpu.memref_slice %arg9[%dma_start3A_127, %dma_start3A_128] : memref<512x64xf32, #tpu.memory_space<vmem>> -> memref<128x64xf32, #tpu.memory_space<vmem>>
      %dma_start3A_130 = arith.constant 0 : i32
      %dma_start3A_131 = tpu.memref_slice %arg6[%add3A_126, %dma_start3A_130] : memref<104x128xi32, #tpu.memory_space<vmem>> -> memref<1x128xi32, #tpu.memory_space<vmem>>
      %dma_start3A_132 = tpu.memref_squeeze %dma_start3A_131 : memref<1x128xi32, #tpu.memory_space<vmem>> -> memref<128xi32, #tpu.memory_space<vmem>>
      %dma_start3A_133 = arith.constant 0 : i32
      %dma_start3A_134 = arith.constant 0 : i32
      %dma_start3A_135 = tpu.memref_slice %arg4[%dma_start3A_133, %dma_start3A_134] : memref<2981888x64xf32, #tpu.memory_space<hbm>> -> memref<2981888x64xf32, #tpu.memory_space<hbm>>
      tpu.enqueue_indirect_dma source(%dma_start3A_135 : memref<2981888x64xf32, #tpu.memory_space<hbm>>) target(%dma_start3A_129 : memref<128x64xf32, #tpu.memory_space<vmem>>) offsets(%dma_start3A_132 : memref<128xi32, #tpu.memory_space<vmem>>) semaphore(%arg11 : memref<!tpu.dma_semaphore, #tpu.memory_space<semaphore_mem>>)
      %add3A_136 = arith.constant 1 : i32
      %add3A_137 = arith.addi %mul3A_66, %add3A_136 : i32
      %dma_wait3A_138 = arith.constant 0 : i32
      %dma_wait3A_139 = arith.constant 0 : i32
      %dma_wait3A_140 = tpu.memref_slice %arg4[%dma_wait3A_138, %dma_wait3A_139] : memref<2981888x64xf32, #tpu.memory_space<hbm>> -> memref<512x64xf32, #tpu.memory_space<hbm>>
      %dma_wait3A_141 = arith.constant 0 : i32
      %dma_wait3A_142 = arith.constant 0 : i32
      %dma_wait3A_143 = tpu.memref_slice %arg4[%dma_wait3A_141, %dma_wait3A_142] : memref<2981888x64xf32, #tpu.memory_space<hbm>> -> memref<512x64xf32, #tpu.memory_space<hbm>>
      tpu.wait_dma2 semaphore(%arg11 : memref<!tpu.dma_semaphore, #tpu.memory_space<semaphore_mem>>) src(%dma_wait3A_143 : memref<512x64xf32, #tpu.memory_space<hbm>>) dst(%arg9 : memref<512x64xf32, #tpu.memory_space<vmem>>)
      %mul3A_144 = arith.constant 512 : i32
      %mul3A_145 = arith.muli %add3A_137, %mul3A_144 : i32
      %add3A_146 = arith.addi %mul3A_2, %mul3A_145 : i32
      %dma_start3A_147 = arith.constant 0 : i32
      %dma_start3A_148 = tpu.memref_slice %arg5[%add3A_146, %dma_start3A_147] : memref<425984x64xf32, #tpu.memory_space<hbm>> -> memref<512x64xf32, #tpu.memory_space<hbm>>
      %dma_start3A_149 = arith.constant 0 : i32
      %dma_start3A_150 = tpu.memref_slice %arg5[%add3A_146, %dma_start3A_149] : memref<425984x64xf32, #tpu.memory_space<hbm>> -> memref<512x64xf32, #tpu.memory_space<hbm>>
      tpu.enqueue_dma source(%arg9 : memref<512x64xf32, #tpu.memory_space<vmem>>) target(%dma_start3A_150 : memref<512x64xf32, #tpu.memory_space<hbm>>) target_semaphore(%arg13 : memref<!tpu.dma_semaphore, #tpu.memory_space<semaphore_mem>>)
      %add3A_151 = arith.constant 1 : i32
      %add3A_152 = arith.addi %add3A_137, %add3A_151 : i32
      %lt3A = arith.constant 26 : i32
      %lt3A_153 = arith.cmpi slt, %add3A_152, %lt3A : i32
      %convert_element_type3A_154 = arith.extui %lt3A_153 : i1 to i32
      %cond3A_155 = arith.constant 0 : i32
      %cond3A_156 = arith.cmpi ne, %convert_element_type3A_154, %cond3A_155 : i32
      scf.if %cond3A_156 {
        %sub3A = arith.constant 1 : i32
        %sub3A_157 = arith.subi %add3A_137, %sub3A : i32
        %mul3A_158 = arith.constant 512 : i32
        %mul3A_159 = arith.muli %sub3A_157, %mul3A_158 : i32
        %add3A_160 = arith.addi %mul3A_2, %mul3A_159 : i32
        %dma_wait3A_161 = arith.constant 0 : i32
        %dma_wait3A_162 = tpu.memref_slice %arg5[%add3A_160, %dma_wait3A_161] : memref<425984x64xf32, #tpu.memory_space<hbm>> -> memref<512x64xf32, #tpu.memory_space<hbm>>
        %dma_wait3A_163 = arith.constant 0 : i32
        %dma_wait3A_164 = tpu.memref_slice %arg5[%add3A_160, %dma_wait3A_163] : memref<425984x64xf32, #tpu.memory_space<hbm>> -> memref<512x64xf32, #tpu.memory_space<hbm>>
        tpu.wait_dma2 semaphore(%arg12 : memref<!tpu.dma_semaphore, #tpu.memory_space<semaphore_mem>>) src(%arg8 : memref<512x64xf32, #tpu.memory_space<vmem>>) dst(%dma_wait3A_164 : memref<512x64xf32, #tpu.memory_space<hbm>>)
        %add3A_165 = arith.constant 1 : i32
        %add3A_166 = arith.addi %add3A_137, %add3A_165 : i32
        %mul3A_167 = arith.constant 4 : i32
        %mul3A_168 = arith.muli %add3A_166, %mul3A_167 : i32
        %add3A_169 = arith.constant 0 : i32
        %add3A_170 = arith.addi %mul3A_168, %add3A_169 : i32
        %dma_start3A_171 = arith.constant 0 : i32
        %dma_start3A_172 = arith.constant 0 : i32
        %dma_start3A_173 = tpu.memref_slice %arg8[%dma_start3A_171, %dma_start3A_172] : memref<512x64xf32, #tpu.memory_space<vmem>> -> memref<128x64xf32, #tpu.memory_space<vmem>>
        %dma_start3A_174 = arith.constant 0 : i32
        %dma_start3A_175 = tpu.memref_slice %arg6[%add3A_170, %dma_start3A_174] : memref<104x128xi32, #tpu.memory_space<vmem>> -> memref<1x128xi32, #tpu.memory_space<vmem>>
        %dma_start3A_176 = tpu.memref_squeeze %dma_start3A_175 : memref<1x128xi32, #tpu.memory_space<vmem>> -> memref<128xi32, #tpu.memory_space<vmem>>
        %dma_start3A_177 = arith.constant 0 : i32
        %dma_start3A_178 = arith.constant 0 : i32
        %dma_start3A_179 = tpu.memref_slice %arg4[%dma_start3A_177, %dma_start3A_178] : memref<2981888x64xf32, #tpu.memory_space<hbm>> -> memref<2981888x64xf32, #tpu.memory_space<hbm>>
        tpu.enqueue_indirect_dma source(%dma_start3A_179 : memref<2981888x64xf32, #tpu.memory_space<hbm>>) target(%dma_start3A_173 : memref<128x64xf32, #tpu.memory_space<vmem>>) offsets(%dma_start3A_176 : memref<128xi32, #tpu.memory_space<vmem>>) semaphore(%arg10 : memref<!tpu.dma_semaphore, #tpu.memory_space<semaphore_mem>>)
        %mul3A_180 = arith.constant 4 : i32
        %mul3A_181 = arith.muli %add3A_166, %mul3A_180 : i32
        %add3A_182 = arith.constant 1 : i32
        %add3A_183 = arith.addi %mul3A_181, %add3A_182 : i32
        %dma_start3A_184 = arith.constant 128 : i32
        %dma_start3A_185 = arith.constant 0 : i32
        %dma_start3A_186 = tpu.memref_slice %arg8[%dma_start3A_184, %dma_start3A_185] : memref<512x64xf32, #tpu.memory_space<vmem>> -> memref<128x64xf32, #tpu.memory_space<vmem>>
        %dma_start3A_187 = arith.constant 0 : i32
        %dma_start3A_188 = tpu.memref_slice %arg6[%add3A_183, %dma_start3A_187] : memref<104x128xi32, #tpu.memory_space<vmem>> -> memref<1x128xi32, #tpu.memory_space<vmem>>
        %dma_start3A_189 = tpu.memref_squeeze %dma_start3A_188 : memref<1x128xi32, #tpu.memory_space<vmem>> -> memref<128xi32, #tpu.memory_space<vmem>>
        %dma_start3A_190 = arith.constant 0 : i32
        %dma_start3A_191 = arith.constant 0 : i32
        %dma_start3A_192 = tpu.memref_slice %arg4[%dma_start3A_190, %dma_start3A_191] : memref<2981888x64xf32, #tpu.memory_space<hbm>> -> memref<2981888x64xf32, #tpu.memory_space<hbm>>
        tpu.enqueue_indirect_dma source(%dma_start3A_192 : memref<2981888x64xf32, #tpu.memory_space<hbm>>) target(%dma_start3A_186 : memref<128x64xf32, #tpu.memory_space<vmem>>) offsets(%dma_start3A_189 : memref<128xi32, #tpu.memory_space<vmem>>) semaphore(%arg10 : memref<!tpu.dma_semaphore, #tpu.memory_space<semaphore_mem>>)
        %mul3A_193 = arith.constant 4 : i32
        %mul3A_194 = arith.muli %add3A_166, %mul3A_193 : i32
        %add3A_195 = arith.constant 2 : i32
        %add3A_196 = arith.addi %mul3A_194, %add3A_195 : i32
        %dma_start3A_197 = arith.constant 256 : i32
        %dma_start3A_198 = arith.constant 0 : i32
        %dma_start3A_199 = tpu.memref_slice %arg8[%dma_start3A_197, %dma_start3A_198] : memref<512x64xf32, #tpu.memory_space<vmem>> -> memref<128x64xf32, #tpu.memory_space<vmem>>
        %dma_start3A_200 = arith.constant 0 : i32
        %dma_start3A_201 = tpu.memref_slice %arg6[%add3A_196, %dma_start3A_200] : memref<104x128xi32, #tpu.memory_space<vmem>> -> memref<1x128xi32, #tpu.memory_space<vmem>>
        %dma_start3A_202 = tpu.memref_squeeze %dma_start3A_201 : memref<1x128xi32, #tpu.memory_space<vmem>> -> memref<128xi32, #tpu.memory_space<vmem>>
        %dma_start3A_203 = arith.constant 0 : i32
        %dma_start3A_204 = arith.constant 0 : i32
        %dma_start3A_205 = tpu.memref_slice %arg4[%dma_start3A_203, %dma_start3A_204] : memref<2981888x64xf32, #tpu.memory_space<hbm>> -> memref<2981888x64xf32, #tpu.memory_space<hbm>>
        tpu.enqueue_indirect_dma source(%dma_start3A_205 : memref<2981888x64xf32, #tpu.memory_space<hbm>>) target(%dma_start3A_199 : memref<128x64xf32, #tpu.memory_space<vmem>>) offsets(%dma_start3A_202 : memref<128xi32, #tpu.memory_space<vmem>>) semaphore(%arg10 : memref<!tpu.dma_semaphore, #tpu.memory_space<semaphore_mem>>)
        %mul3A_206 = arith.constant 4 : i32
        %mul3A_207 = arith.muli %add3A_166, %mul3A_206 : i32
        %add3A_208 = arith.constant 3 : i32
        %add3A_209 = arith.addi %mul3A_207, %add3A_208 : i32
        %dma_start3A_210 = arith.constant 384 : i32
        %dma_start3A_211 = arith.constant 0 : i32
        %dma_start3A_212 = tpu.memref_slice %arg8[%dma_start3A_210, %dma_start3A_211] : memref<512x64xf32, #tpu.memory_space<vmem>> -> memref<128x64xf32, #tpu.memory_space<vmem>>
        %dma_start3A_213 = arith.constant 0 : i32
        %dma_start3A_214 = tpu.memref_slice %arg6[%add3A_209, %dma_start3A_213] : memref<104x128xi32, #tpu.memory_space<vmem>> -> memref<1x128xi32, #tpu.memory_space<vmem>>
        %dma_start3A_215 = tpu.memref_squeeze %dma_start3A_214 : memref<1x128xi32, #tpu.memory_space<vmem>> -> memref<128xi32, #tpu.memory_space<vmem>>
        %dma_start3A_216 = arith.constant 0 : i32
        %dma_start3A_217 = arith.constant 0 : i32
        %dma_start3A_218 = tpu.memref_slice %arg4[%dma_start3A_216, %dma_start3A_217] : memref<2981888x64xf32, #tpu.memory_space<hbm>> -> memref<2981888x64xf32, #tpu.memory_space<hbm>>
        tpu.enqueue_indirect_dma source(%dma_start3A_218 : memref<2981888x64xf32, #tpu.memory_space<hbm>>) target(%dma_start3A_212 : memref<128x64xf32, #tpu.memory_space<vmem>>) offsets(%dma_start3A_215 : memref<128xi32, #tpu.memory_space<vmem>>) semaphore(%arg10 : memref<!tpu.dma_semaphore, #tpu.memory_space<semaphore_mem>>)
      } else {
      }
    }
    %scan3A_52 = arith.constant 13 : i32
    %add3A_53 = arith.constant 12288 : i32
    %add3A_54 = arith.addi %mul3A_2, %add3A_53 : i32
    %dma_wait3A = arith.constant 0 : i32
    %dma_wait3A_55 = tpu.memref_slice %arg5[%add3A_54, %dma_wait3A] : memref<425984x64xf32, #tpu.memory_space<hbm>> -> memref<512x64xf32, #tpu.memory_space<hbm>>
    %dma_wait3A_56 = arith.constant 0 : i32
    %dma_wait3A_57 = tpu.memref_slice %arg5[%add3A_54, %dma_wait3A_56] : memref<425984x64xf32, #tpu.memory_space<hbm>> -> memref<512x64xf32, #tpu.memory_space<hbm>>
    tpu.wait_dma2 semaphore(%arg12 : memref<!tpu.dma_semaphore, #tpu.memory_space<semaphore_mem>>) src(%arg8 : memref<512x64xf32, #tpu.memory_space<vmem>>) dst(%dma_wait3A_57 : memref<512x64xf32, #tpu.memory_space<hbm>>)
    %add3A_58 = arith.constant 12800 : i32
    %add3A_59 = arith.addi %mul3A_2, %add3A_58 : i32
    %dma_wait3A_60 = arith.constant 0 : i32
    %dma_wait3A_61 = tpu.memref_slice %arg5[%add3A_59, %dma_wait3A_60] : memref<425984x64xf32, #tpu.memory_space<hbm>> -> memref<512x64xf32, #tpu.memory_space<hbm>>
    %dma_wait3A_62 = arith.constant 0 : i32
    %dma_wait3A_63 = tpu.memref_slice %arg5[%add3A_59, %dma_wait3A_62] : memref<425984x64xf32, #tpu.memory_space<hbm>> -> memref<512x64xf32, #tpu.memory_space<hbm>>
    tpu.wait_dma2 semaphore(%arg13 : memref<!tpu.dma_semaphore, #tpu.memory_space<semaphore_mem>>) src(%arg9 : memref<512x64xf32, #tpu.memory_space<vmem>>) dst(%dma_wait3A_63 : memref<512x64xf32, #tpu.memory_space<hbm>>)
    return
  }
}

module attributes {stable_mosaic.version = 14 : i64} {
  func.func @_transpose_block(%arg0: i32, %arg1: i32, %arg2: memref<1x64x16384xf32, #tpu.memory_space<vmem>>, %arg3: memref<1x8192x128xf32, #tpu.memory_space<vmem>>) attributes {dimension_semantics = [#tpu.dimension_semantics<arbitrary>, #tpu.dimension_semantics<arbitrary>], iteration_bounds = array<i64: 26, 7>, scalar_prefetch = 0 : i64, scratch_operands = 0 : i64, tpu.core_type = #tpu.core_type<tc>, window_params = [{transform_indices = @transform_0, window_bounds = array<i64: 1, 64, 16384>}, {transform_indices = @transform_1, window_bounds = array<i64: 1, 8192, 128>}]} {
    %get3A = arith.constant 0 : index
    %get3A_0 = arith.constant 0 : index
    %get3A_1 = arith.constant 0 : index
    %get3A_2 = vector.load %arg2[%get3A, %get3A_0, %get3A_1] : memref<1x64x16384xf32, #tpu.memory_space<vmem>>, vector<1x64x8192xf32>
    %get3A_3 = vector.shape_cast %get3A_2 : vector<1x64x8192xf32> to vector<64x8192xf32>
    %transpose3A = tpu.transpose %get3A_3, [1, 0] : vector<64x8192xf32> -> vector<8192x64xf32>
    %get3A_4 = arith.constant 0 : index
    %get3A_5 = arith.constant 0 : index
    %get3A_6 = arith.constant 8192 : index
    %get3A_7 = vector.load %arg2[%get3A_4, %get3A_5, %get3A_6] : memref<1x64x16384xf32, #tpu.memory_space<vmem>>, vector<1x64x8192xf32>
    %get3A_8 = vector.shape_cast %get3A_7 : vector<1x64x8192xf32> to vector<64x8192xf32>
    %transpose3A_9 = tpu.transpose %get3A_8, [1, 0] : vector<64x8192xf32> -> vector<8192x64xf32>
    %swap3A = arith.constant 0 : index
    %swap3A_10 = arith.constant 0 : index
    %swap3A_11 = arith.constant 0 : index
    %swap3A_12 = vector.load %arg3[%swap3A, %swap3A_10, %swap3A_11] : memref<1x8192x128xf32, #tpu.memory_space<vmem>>, vector<1x8192x64xf32>
    %swap3A_13 = vector.shape_cast %swap3A_12 : vector<1x8192x64xf32> to vector<8192x64xf32>
    %swap3A_14 = vector.shape_cast %transpose3A : vector<8192x64xf32> to vector<1x8192x64xf32>
    tpu.vector_store %arg3[%swap3A, %swap3A_10, %swap3A_11], %swap3A_14 {strides = array<i32>} : memref<1x8192x128xf32, #tpu.memory_space<vmem>>, vector<1x8192x64xf32>,
    %swap3A_15 = arith.constant 0 : index
    %swap3A_16 = arith.constant 0 : index
    %swap3A_17 = arith.constant 64 : index
    %swap3A_18 = vector.load %arg3[%swap3A_15, %swap3A_16, %swap3A_17] : memref<1x8192x128xf32, #tpu.memory_space<vmem>>, vector<1x8192x64xf32>
    %swap3A_19 = vector.shape_cast %swap3A_18 : vector<1x8192x64xf32> to vector<8192x64xf32>
    %swap3A_20 = vector.shape_cast %transpose3A_9 : vector<8192x64xf32> to vector<1x8192x64xf32>
    tpu.vector_store %arg3[%swap3A_15, %swap3A_16, %swap3A_17], %swap3A_20 {strides = array<i32>} : memref<1x8192x128xf32, #tpu.memory_space<vmem>>, vector<1x8192x64xf32>,
    return
  }
  func.func @transform_0(%arg0: i32, %arg1: i32) -> (i32, i32, i32) {
    %c0_i32 = arith.constant 0 : i32
    %c0_i32_0 = arith.constant 0 : i32
    return %arg0, %c0_i32, %arg1 : i32, i32, i32
  }
  func.func @transform_1(%arg0: i32, %arg1: i32) -> (i32, i32, i32) {
    %c0_i32 = arith.constant 0 : i32
    %c0_i32_0 = arith.constant 0 : i32
    return %arg0, %arg1, %c0_i32 : i32, i32, i32
  }
}

</mosaic_0001>

<sc_bundles>
// kernel: kernel.4.cloned.1.call-start
scs
__scs_entry_jumppad:
0x0: {  	(pc) =	sbr.rel $0x88, $3  }
0x1: {  	(tag) =	ssettag $0x0;
	lr =	simm.s32 $0x1  }
0x2: {  	[smem:$0x3F9F] =	sst lr;
	_ =	strace $0xD0000000  }
0x3: {  	_ = 	snop  }
0x4: {  	_ = 	snop  }
0x5: {  	_ = 	snop  }
0x6: {  	_ = 	snop  }
0x7: {  	_ = 	snop  }
__scs_overlays_trampoline_lowered:
0x8: {  	[smem:$0x3FAE] =	sst s0  }
0x9: {  	[smem:$0x3FAF] =	sst s1  }
0xa: {  	[smem:$0x3FB0] =	sst s2  }
0xb: {  	[smem:$0x3FB1] =	sst s3  }
0xc: {  	[smem:$0x3FB2] =	sst s4  }
0xd: {  	[smem:$0x3FB3] =	sst s5  }
0xe: {  	[smem:$0x3FB4] =	sst s6  }
0xf: {  	[smem:$0x3FB5] =	sst s7  }
0x10: {  	[smem:$0x3FB6] =	sst s8  }
0x11: {  	[smem:$0x3FB7] =	sst s9;
	s0 =	simm.s32 @!p0 $0x0  }
0x12: {  	s1 =	sld [smem:$0x3F9D];
	s0 =	simm.s32 @p0 $0x1  }
0x13: {  	[smem:$0x3FB8] =	sst s0;
	s0 =	simm.s32 @!p1 $0x0  }
0x14: {  	s2 =	sld [smem:$0x3F9C];
	s0 =	simm.s32 @p1 $0x1  }
0x15: {  	[smem:$0x3FB9] =	sst s0;
	s0 =	simm.s32 @!p2 $0x0  }
0x16: {  	s3 =	sld [smem:$0x3FDB];
	s0 =	simm.s32 @p2 $0x1  }
0x17: {  	s4 =	simm.s32 $0x1BF5;
	[smem:$0x3FBB] =	sst s0  }
0x18: {  	s0 =	sld [smem:$0x3F9E];
	_ =	swait.ge [sflag:s4], $0x0  }
0x19: {  	s7 =	sld [smem:$0x3F9F]  }
0x1a: {  	s8 =	sadd.s32 $0xFFFFE003, lr  }
0x1b: {  	s9 =	sadd.s32 $0xFFFFFEF7, lr;
	s5 =	simm.s32 $0xFFFFFFFF;
	p2 =	slt.u32 s8, $0xFFFFF086  }
0x1c: {  	p1 =	slt.u32 s9, $0xF7A;
	s5 =	simm.s32 @!p2 $0x0  }
0x1d: {  	s5 =	simm.s32 @p1 $0x1;
	p0 =	seq.s32 s7, s2  }
0x1e: {  	s7 =	smul.u32 @!p0 $0xF7A, s2;
	p2 =	seq.s32 @!p0 s5, $0x0  }
0x1f: {  	s9 =	smul.u32 $0xF7A, s1;
	s8 =	simm.s32 @!p0 $0x1BF5;
	p2 =	por !p2, p0  }
0x20: {  	[sflag:s8] =	ssyncset.s32 @!p0 $0xFFFFF086;
	s6 =	sadd.s32 @!p0 s3, s7;
	s7 =	simm.s32 @!p0 $0x108  }
0x21: {  	s3 =	sadd.s32 s3, s9;
	s6 =	sadd.s32 @!p0 $0x88, s6;
	s7 =	simm.s32 @p2 $0x1082  }
0x22: {  	[simem:s7], [sflag:s8] =	dma.local @!p0 [hbm:s6], $0xF7A  }
0x23: {  	s9 =	sor.u32 $0xD0000000, s2;
	s6 =	simm.s32 $0x108;
	_ =	swait.ge @!p0 [sflag:s8], $0x0  }
0x24: {  	s3 =	sadd.s32 $0x88, s3;
	s6 =	simm.s32 @!p1 $0x1082;
	[sflag:s4] =	ssyncset.s32 $0xFFFFF086  }
0x25: {  	[simem:s6], [sflag:s4] =	dma.local [hbm:s3], $0xF7A  }
0x26: {  	[smem:$0x3F9F] =	sst s1;
	(tag) =	ssettag s2;
	_ =	strace s9  }
0x27: {  	s1 =	sld [smem:$0x3FAF]  }
0x28: {  	s2 =	sld [smem:$0x3FB0]  }
0x29: {  	s4 =	sld [smem:$0x3FB2]  }
0x2a: {  	p0 =	seq.s32 s5, $0x0;
	s5 =	sld [smem:$0x3FB3]  }
0x2b: {  	s6 =	sld [smem:$0x3FB4]  }
0x2c: {  	s7 =	sld [smem:$0x3FB5]  }
0x2d: {  	s3 =	simm.s32 $0x108;
	s8 =	sld [smem:$0x3FB6]  }
0x2e: {  	s3 =	simm.s32 @!p0 $0x1082;
	s9 =	sld [smem:$0x3FB7]  }
0x2f: {  	lr =	sadd.s32 s0, s3;
	s0 =	sld [smem:$0x3FAE]  }
0x30: {  	s3 =	sld [smem:$0x3FB1]  }
0x31: {  	[smem:$0x3FBA] =	sst s10  }
0x32: {  	s10 =	sld [smem:$0x3FB8];
	_ =	sdelay $0x3  }
0x33: {  	p0 =	seq.s32 s10, $0x1;
	s10 =	sld [smem:$0x3FBA];
	_ =	sdelay $0x3  }
0x34: {  	[smem:$0x3FBA] =	sst s10  }
0x35: {  	s10 =	sld [smem:$0x3FB9];
	_ =	sdelay $0x3  }
0x36: {  	p1 =	seq.s32 s10, $0x1;
	s10 =	sld [smem:$0x3FBA];
	_ =	sdelay $0x3  }
0x37: {  	[smem:$0x3FBA] =	sst s10  }
0x38: {  	s10 =	sld [smem:$0x3FBB]  }
0x39: {  	_ = 	snop;
	(pc) =	sbr.ind lr, $3  }
0x3a: {  	_ = 	snop  }
0x3b: {  	_ = 	snop  }
0x3c: {  	p2 =	seq.s32 s10, $0x1;
	s10 =	sld [smem:$0x3FBA]  }
0x3d: {  	_ =	shalt  }
0x3e: {  	_ =	shalt  }
0x3f: {  	_ =	shalt  }
0x40: {  	_ =	shalt  }
0x41: {  	_ =	shalt  }
0x42: {  	_ =	shalt  }
0x43: {  	_ =	shalt  }
0x44: {  	_ =	shalt  }
0x45: {  	_ =	shalt  }
0x46: {  	_ =	shalt  }
0x47: {  	_ =	shalt  }
0x48: {  	_ =	shalt  }
0x49: {  	_ =	shalt  }
0x4a: {  	_ =	shalt  }
0x4b: {  	_ =	shalt  }
0x4c: {  	_ =	shalt  }
0x4d: {  	_ =	shalt  }
0x4e: {  	_ =	shalt  }
0x4f: {  	_ =	shalt  }
0x50: {  	_ =	shalt  }
0x51: {  	_ =	shalt  }
0x52: {  	_ =	shalt  }
0x53: {  	_ =	shalt  }
0x54: {  	_ =	shalt  }
0x55: {  	_ =	shalt  }
0x56: {  	_ =	shalt  }
0x57: {  	_ =	shalt  }
0x58: {  	_ =	shalt  }
0x59: {  	_ =	shalt  }
0x5a: {  	_ =	shalt  }
0x5b: {  	_ =	shalt  }
0x5c: {  	_ =	shalt  }
0x5d: {  	_ =	shalt  }
0x5e: {  	_ =	shalt  }
0x5f: {  	_ =	shalt  }
0x60: {  	_ =	shalt  }
0x61: {  	_ =	shalt  }
0x62: {  	_ =	shalt  }
0x63: {  	_ =	shalt  }
0x64: {  	_ =	shalt  }
0x65: {  	_ =	shalt  }
0x66: {  	_ =	shalt  }
0x67: {  	_ =	shalt  }
0x68: {  	_ =	shalt  }
0x69: {  	_ =	shalt  }
0x6a: {  	_ =	shalt  }
0x6b: {  	_ =	shalt  }
0x6c: {  	_ =	shalt  }
0x6d: {  	_ =	shalt  }
0x6e: {  	_ =	shalt  }
0x6f: {  	_ =	shalt  }
0x70: {  	_ =	shalt  }
0x71: {  	_ =	shalt  }
0x72: {  	_ =	shalt  }
0x73: {  	_ =	shalt  }
0x74: {  	_ =	shalt  }
0x75: {  	_ =	shalt  }
0x76: {  	_ =	shalt  }
0x77: {  	_ =	shalt  }
0x78: {  	_ =	shalt  }
0x79: {  	_ =	shalt  }
0x7a: {  	_ =	shalt  }
0x7b: {  	_ =	shalt  }
0x7c: {  	_ =	shalt  }
0x7d: {  	_ =	shalt  }
0x7e: {  	_ =	shalt  }
0x7f: {  	_ =	shalt  }
0x80: {  	_ =	shalt  }
0x81: {  	_ =	shalt  }
0x82: {  	_ =	shalt  }
0x83: {  	_ =	shalt  }
0x84: {  	_ =	shalt  }
0x85: {  	_ =	shalt  }
0x86: {  	_ =	shalt  }
0x87: {  	_ =	shalt  }
.Lfunc_end0:
.L_simem_size_0:
called_computation_lowered:
.L_overlay_start_0:
0x88: {  	s2 =	sld [smem:$0x3FD9]  }
0x89: {  	s3 =	sld [smem:$0x3FFE];
	_ =	sdelay $0x1  }
0x8a: {  	s1 =	srdreg.scid  }
0x8b: {  	s0 =	sand.u32 $0x1, s1  }
0x8c: {  	s17 =	sshll.u32 s0, $0xA;
	s2 =	sadd.s32 s3, s2  }
0x8d: {  	s2 =	sadd.s32 s2, s17  }
0x8e: {  	[smem:$0x3FC6] =	sst s2  }
0x8f: {  	_ = 	snop  }
0x90: {  	s2 =	sld [smem:$0x3FD0];
	(tm) =	ssettm $0x1  }
0x91: {  	s18 =	sld [smem:$0x3FFB];
	_ =	sdelay $0x3  }
0x92: {  	_ =	strace s18  }
0x93: {  	s3 =	sld [smem:$0x3FFC];
	_ =	sdelay $0x3  }
0x94: {  	_ =	strace s3  }
0x95: {  	s3 =	sld [smem:$0x3FFD];
	_ =	sdelay $0x3  }
0x96: {  	_ =	strace s3  }
0x97: {  	_ =	strace $0x8FFFFFFF  }
0x98: {  	s19 =	sld [smem:$0x3FDB];
	_ =	sdelay $0x1  }
0x99: {  	s4 =	simm.s32 $_scs_section_size  }
0x9a: {  	s5 =	simm.s32 $_size__tile_overlayer_lowered;
	s6 =	simm.s32 $_tile_overlayer_lowered  }
0x9b: {  	s22 =	simm.s32 $0x1BFF;
	s21 =	sshll.u32 s6, $0x1;
	s3 =	sadd.s32 s4, s19  }
0x9c: {  	s7 =	simm.s32 $0x0;
	s20 =	sshll.u32 s5, $0x1;
	s5 =	sadd.s32 s21, s3  }
0x9d: {  	[timem:s7], [sflag:s22] =	dma.local [hbm:s5], s20  }
0x9e: {  	_ =	swait.ge [sflag:s22], s20  }
0x9f: {  	s4 =	ssub.s32 $0x0, s20;
	[sflag:s22] =	ssyncset.done $0x0  }
0xa0: {  	[sflag:s22] =	ssyncadd.s32 s4;
	_ =	sdelay $0x1  }
0xa1: {  	s23 =	simm.s32 $0x1B8B  }
0xa2: {  	_ =	swait.ge [sflag:s23], $0x1  }
0xa3: {  	[sflag:s23] =	ssyncset.done $0x0  }
0xa4: {  	s25 =	simm.s32 $0x1B8E;
	s24 =	sld [smem:$0x3FFE];
	[sflag:s23] =	ssyncadd.s32 $0xFFFFFFFF  }
0xa5: {  	s26 =	simm.s32 $execute0_lowered;
	[smem:$0x3FD2] =	sst s25  }
0xa6: {  	s5 =	sshll.u32 s26, $0x1;
	_ =	strace $0x80000046;
	[dreg:$0x1] =	wrdreg $0xFFFFFFFF  }
0xa7: {  	s28 =	simm.s32 $_size_execute0_lowered;
	s3 =	sadd.s32 s3, s5;
	[dreg:$0x0] =	wrdreg $0x0  }
0xa8: {  	s5 =	sshll.u32 s28, $0x1;
	[dreg:$0x2] =	wrdreg s3  }
0xa9: {  	[dreg:$0x3] =	wrdreg s5  }
0xaa: {  	[dreg:$0x4] =	wrdreg $0xC0  }
0xab: {  	_ =	task [dreg:s7], $0x5FFFF  }
0xac: {  	[dreg:$0x1] =	wrdreg $0xFFFFFFFF  }
0xad: {  	[dreg:$0x0] =	wrdreg $0x60  }
0xae: {  	[dreg:$0x2] =	wrdreg s2  }
0xaf: {  	[dreg:$0x3] =	wrdreg s24  }
0xb0: {  	[dreg:$0x4] =	wrdreg $0x9  }
0xb1: {  	_ =	task.clear_ibuf [dreg:s7], $0x5FFFF;
	_ =	strace $0x90000046  }
0xb2: {  	s29 =	simm.s32 $0x9;
	_ =	strace $0x80000048  }
0xb3: {  	_ =	swait.ge [sflag:s29], $0x1  }
0xb4: {  	[sflag:s29] =	ssyncadd.s32 $0xFFFFFFFF  }
0xb5: {  	_ =	strace $0x90000048  }
0xb6: {  	_ =	sfence  }
0xb7: {  	s30 =	sld [smem:$0x0];
	_ =	sdelay $0x2  }
0xb8: {  	s31 =	sshll.u32 s1, $0xD;
	s1 =	sshrl.u32 s1, $0x2  }
0xb9: {  	s3 =	sand.u32 $0x4000, s31;
	s1 =	sadd.s32 s1, s30  }
0xba: {  	s0 =	sor.u32 s3, s0;
	s1 =	sshll.u32 s1, $0x11  }
0xbb: {  	s0 =	sor.u32 s1, s0  }
0xbc: {  	s0 =	sadd.s32 $0x8F2B, s0  }
0xbd: {  	[sflag:s0] =	ssyncadd.remote.s32 $0x1  }
0xbe: {  	_ =	sfence.sel $0xFFFF  }
0xbf: {  	[dreg:$0x0] =	wrdreg $0xFFFFFFFF;
	(pc) =	sbr.abs _section_cstart, $3  }
0xc0: {  	[dreg:$0x1] =	wrdreg $0xFFFFFFFF  }
0xc1: {  	_ =	task.clear_ibuf [dreg:s7], $0x2FFFF;
	_ =	strace $0x9FFFFFFF  }
0xc2: {  	(tm) =	ssettm $0x7FFFFFFF  }
0xc3: {  	_ =	shalt  }
tec
execute0_lowered:
.L_overlay_start_1:
0x0: {  	(tag) =	ssettag $0x1  }
0x1: {  	s0 =	srdreg.scid;
	s1 =	rddreg [dreg:$0x0]  }
0x2: {  	s4 =	stileid.u32;
	s5 =	rddreg [dreg:$0x1];
	s12 =	simm.s32 $0x5  }
0x3: {  	s14 =	simm.s32 $0x80;
	s15 =	simm.s32 $0x6800;
	s16 =	simm.s32 $0x8800  }
0x4: {  	s18 =	simm.s32 $0xA800;
	s20 =	simm.s32 $0xC800;
	s21 =	simm.s32 $0x1  }
0x5: {  	s23 =	simm.s32 $0xE800;
	s25 =	simm.s32 $0x10800;
	s28 =	simm.s32 $0x12800  }
0x6: {  	s30 =	simm.s32 $0x14800;
	s31 =	simm.s32 $0x2;
	s19 =	simm.s32 $0x580  }
0x7: {  	s0 =	sand.u32 $0x1, s0;
	s2 =	sshll.u32 s4, $0x1;
	s9 =	smul.u32 $0x1A0000, s4  }
0x8: {  	s3 =	sor.u32 s0, s2;
	s8 =	ssub.s32 $0x2, s0;
	s0 =	smul.u32 $0xD0000, s0  }
0x9: {  	s22 =	simm.s32 $0x4;
	s2 =	simm.s32 $0x0;
	s6 =	smul.u32 $0x680, s3  }
0xa: {  	s24 =	simm.s32 $0x0;
	[smem:$0x7FF] =	sst s2;
	s7 =	smul.u32 $0xD0000, s3  }
0xb: {  	s4 =	sadd.s32 $0x600, s5;
	s3 =	sadd.s32 $0x16C0600, s5;
	s5 =	sadd.s32 $0x16C0E00, s5  }
.Ltmp0:
0xc: {  	s10 =	sshrl.u32 s8, $0x1;
	_ =	strace $0x80000047;
	(pc) =	sbr.rel .LBB2_1-.Ltmp0, $4  }
0xd: {  	s8 =	ssub.s32 s8, s10;
	s0 =	sadd.s32 s0, s9;
	s6 =	sadd.s32 s1, s6  }
0xe: {  	s26 =	sshrl.u32 s7, $0x3;
	s7 =	smax.u32 s8, $0x1;
	s29 =	sadd.s32 $0x18000, s0  }
0xf: {  	s0 =	sadd.s32 $0x10000, s0;
	s8 =	sadd.s32 s5, s26;
	s1 =	sshrl.u32 s29, $0x3  }
0x10: {  	s9 =	sadd.s32 $0x1000, s8;
	s11 =	sadd.s32 s1, s5;
	s1 =	simm.s32 $0x3  }
.LBB2_6:
0x11: {  	s24 =	sadd.s32 $0x1, s24  }
0x12: {  	p0 =	sne.s32 s24, s7  }
.Ltmp1:
0x13: {  	_ = 	snop;
	(pc) =	sbr.rel @!p0 .LBB2_7-.Ltmp1, $4  }
0x14: {  	_ = 	snop  }
0x15: {  	_ =	swait.ge [sflag:s22], $0x8000  }
0x16: {  	[sflag:s22] =	ssyncset.done $0x0  }
0x17: {  	[sflag:s22] =	ssyncadd.s32 $0xFFFF8000  }
.LBB2_1:
0x18: {  	[tilespmem:s2], [sflag:$0x5] =	stream.linear.gather [hbm4b:s6+s2], $0x3400, $0x38;
	[tilespmem:$0x16800] =	vst v63  }
0x19: {  	_ =	swait.ge [sflag:s12], $0x3400  }
0x1a: {  	[sflag:s12] =	ssyncset.done $0x0  }
0x1b: {  	s10 =	simm.s32 $0x3400;
	[sflag:s12] =	ssyncadd.s32 $0xFFFFCC00  }
0x1c: {  	[tilespmem:s10], [sflag:$0x5] =	stream.linear.gather [hbm4b:s3+s2], $0x3400, $0x38;
	[tilespmem:$0x16800] =	vst v63  }
0x1d: {  	_ =	swait.ge [sflag:s12], $0x3400  }
0x1e: {  	[sflag:s12] =	ssyncset.done $0x0  }
0x1f: {  	s26 =	simm.s32 $0x0;
	[sflag:s12] =	ssyncadd.s32 $0xFFFFCC00  }
0x20: {  	v0 =	vld [tilespmem:s26+$0x0]  }
0x21: {  	v1 =	vld [tilespmem:s26+$0x3400]  }
0x22: {  	v2 =	vld [tilespmem:s26+$0x10]  }
0x23: {  	v4 =	vld [tilespmem:s26+$0x20]  }
0x24: {  	v3 =	vld [tilespmem:s26+$0x3410]  }
0x25: {  	v7 =	vld [tilespmem:s26+$0x3420];
	_ =	sdelay $0x1  }
0x26: {  	v5 =	vshrl.u32 v0, $0xD;
	v6 =	vand.u32 $0xFFFFC000, v0;
	v0 =	vshll.u32 v0, $0x1  }
0x27: {  	v8 =	vand.u32 $0xFFFFC000, v4;
	v9 =	vshll.u32 v4, $0x1;
	v4 =	vshrl.u32 v4, $0xD  }
0x28: {  	v10 =	vld [tilespmem:s26+$0x3430];
	v5 =	vand.u32 $0x1, v5;
	v1 =	vadd.s32 v6, v1;
	v6 =	vand.u32 $0xFFFFC000, v2  }
0x29: {  	v0 =	vand.u32 $0x3FFE, v0;
	v7 =	vadd.s32 v8, v7;
	v3 =	vadd.s32 v6, v3;
	v6 =	vld [tilespmem:s26+$0x30]  }
0x2a: {  	v11 =	vld [tilespmem:s26+$0x40];
	v0 =	vadd.s32 v0, v1;
	v1 =	vshrl.u32 v2, $0xD;
	v2 =	vshll.u32 v2, $0x1  }
0x2b: {  	v8 =	vand.u32 $0x3FFE, v9;
	v4 =	vand.u32 $0x1, v4;
	v2 =	vand.u32 $0x3FFE, v2  }
0x2c: {  	v12 =	vld [tilespmem:s26+$0x3440];
	v7 =	vadd.s32 v8, v7;
	v1 =	vand.u32 $0x1, v1;
	v3 =	vadd.s32 v2, v3  }
0x2d: {  	v2 =	vadd.s32 v5, v0;
	v0 =	vadd.s32 v4, v7;
	v7 =	vld [tilespmem:s26+$0x50];
	v1 =	vadd.s32 v1, v3  }
0x2e: {  	v9 =	vld [tilespmem:s26+$0x3450];
	v3 =	vshrl.u32 v6, $0xD;
	v4 =	vand.u32 $0xFFFFC000, v6;
	v5 =	vshll.u32 v6, $0x1  }
0x2f: {  	v6 =	vand.u32 $0xFFFFC000, v11;
	v4 =	vadd.s32 v4, v10;
	v5 =	vand.u32 $0x3FFE, v5  }
0x30: {  	v3 =	vand.u32 $0x1, v3;
	v5 =	vadd.s32 v5, v4;
	v4 =	vshrl.u32 v11, $0xD  }
0x31: {  	v10 =	vadd.s32 v6, v12;
	v6 =	vshll.u32 v11, $0x1;
	v8 =	vand.u32 $0x1, v4;
	v4 =	vld [tilespmem:s26+$0x60]  }
0x32: {  	s29 =	simm.s32 $0x200;
	v11 =	vand.u32 $0x3FFE, v6;
	v12 =	vand.u32 $0xFFFFC000, v7;
	v13 =	vshll.u32 v7, $0x1;
	v6 =	vld [tilespmem:s26+$0x3460]  }
.LBB2_2:
0x33: {  	p0 =	sne.s32 s29, $0xCE00;
	v7 =	vshrl.u32 v7, $0xD;
	v9 =	vadd.s32 v12, v9;
	v12 =	vand.u32 $0x3FFE, v13;
	v13 =	vld [tilespmem:s26+$0x70]  }
0x34: {  	v10 =	vadd.s32 v11, v10;
	v7 =	vand.u32 $0x1, v7;
	v9 =	vadd.s32 v12, v9;
	v11 =	vld [tilespmem:s26+$0x3470]  }
0x35: {  	[tilespmem:s26+$0x0] =	vst v2;
	v2 =	vadd.s32 v3, v5;
	v3 =	vadd.s32 v8, v10;
	v5 =	vadd.s32 v7, v9  }
0x36: {  	s10 =	sshra.s32 s29, $0x2;
	[tilespmem:s26+$0x10] =	vst v1;
	v1 =	vshrl.u32 v4, $0xD;
	v7 =	vand.u32 $0xFFFFC000, v4;
	v4 =	vshll.u32 v4, $0x1  }
0x37: {  	v8 =	vld [tilespmem:s10+$0x0];
	[tilespmem:s26+$0x20] =	vst v0;
	v0 =	vand.u32 $0x1, v1;
	v1 =	vadd.s32 v7, v6;
	v4 =	vand.u32 $0x3FFE, v4  }
0x38: {  	v6 =	vld [tilespmem:s10+$0x3400];
	[tilespmem:s26+$0x30] =	vst v2;
	v1 =	vadd.s32 v4, v1;
	v2 =	vand.u32 $0xFFFFC000, v13;
	v4 =	vshll.u32 v13, $0x1  }
0x39: {  	v7 =	vld [tilespmem:s10+$0x10];
	[tilespmem:s26+$0x40] =	vst v3;
	v3 =	vshrl.u32 v13, $0xD;
	v2 =	vadd.s32 v2, v11;
	v4 =	vand.u32 $0x3FFE, v4  }
0x3a: {  	v0 =	vadd.s32 v0, v1;
	v9 =	vld [tilespmem:s10+$0x3410];
	[tilespmem:s26+$0x50] =	vst v5;
	v1 =	vand.u32 $0x1, v3;
	v2 =	vadd.s32 v4, v2  }
0x3b: {  	v3 =	vld [tilespmem:s10+$0x20];
	[tilespmem:s26+$0x60] =	vst v0;
	v0 =	vadd.s32 v1, v2  }
0x3c: {  	v1 =	vshrl.u32 v8, $0xD;
	v2 =	vand.u32 $0xFFFFC000, v8;
	v4 =	vshll.u32 v8, $0x1;
	v5 =	vld [tilespmem:s10+$0x3420];
	[tilespmem:s26+$0x70] =	vst v0;
	s26 =	smov.u32 s10  }
0x3d: {  	v0 =	vand.u32 $0x1, v1;
	v1 =	vadd.s32 v2, v6;
	v2 =	vand.u32 $0x3FFE, v4  }
0x3e: {  	v1 =	vadd.s32 v2, v1;
	v2 =	vshrl.u32 v7, $0xD;
	v4 =	vand.u32 $0xFFFFC000, v7  }
0x3f: {  	v6 =	vand.u32 $0x1, v2;
	v2 =	vadd.s32 v4, v9;
	v4 =	vshll.u32 v7, $0x1;
	v8 =	vld [tilespmem:s26+$0x30]  }
0x40: {  	v4 =	vand.u32 $0x3FFE, v4;
	v7 =	vand.u32 $0xFFFFC000, v3;
	v9 =	vshll.u32 v3, $0x1;
	v10 =	vld [tilespmem:s26+$0x3430]  }
0x41: {  	v3 =	vshrl.u32 v3, $0xD;
	v5 =	vadd.s32 v7, v5;
	v7 =	vand.u32 $0x3FFE, v9;
	v11 =	vld [tilespmem:s26+$0x40]  }
0x42: {  	v4 =	vadd.s32 v4, v2;
	v3 =	vand.u32 $0x1, v3;
	v5 =	vadd.s32 v7, v5;
	v12 =	vld [tilespmem:s26+$0x3440]  }
0x43: {  	v2 =	vadd.s32 v0, v1;
	v1 =	vadd.s32 v6, v4;
	v0 =	vadd.s32 v3, v5;
	v7 =	vld [tilespmem:s26+$0x50]  }
.Ltmp2:
0x44: {  	v3 =	vshrl.u32 v8, $0xD;
	v4 =	vand.u32 $0xFFFFC000, v8;
	v5 =	vshll.u32 v8, $0x1;
	v9 =	vld [tilespmem:s26+$0x3450];
	(pc) =	sbr.rel @p0 .LBB2_2-.Ltmp2, $4  }
0x45: {  	v3 =	vand.u32 $0x1, v3;
	v4 =	vadd.s32 v4, v10;
	v5 =	vand.u32 $0x3FFE, v5  }
0x46: {  	v5 =	vadd.s32 v5, v4;
	v4 =	vshrl.u32 v11, $0xD;
	v6 =	vand.u32 $0xFFFFC000, v11  }
0x47: {  	v8 =	vand.u32 $0x1, v4;
	v10 =	vadd.s32 v6, v12;
	v6 =	vshll.u32 v11, $0x1;
	v4 =	vld [tilespmem:s26+$0x60]  }
0x48: {  	s29 =	sadd.s32 $0x200, s29;
	v11 =	vand.u32 $0x3FFE, v6;
	v12 =	vand.u32 $0xFFFFC000, v7;
	v13 =	vshll.u32 v7, $0x1;
	v6 =	vld [tilespmem:s26+$0x3460]  }
0x49: {  	v7 =	vshrl.u32 v7, $0xD;
	v9 =	vadd.s32 v12, v9;
	v48 =	vand.u32 $0x3FFE, v13;
	v49 =	vld [tilespmem:s26+$0x70]  }
0x4a: {  	v10 =	vadd.s32 v11, v10;
	v50 =	vld [tilespmem:s26+$0x3470];
	v7 =	vand.u32 $0x1, v7;
	v9 =	vadd.s32 v48, v9  }
0x4b: {  	[tilespmem:s26+$0x0] =	vst v2;
	v51 =	vadd.s32 v3, v5;
	v52 =	vadd.s32 v8, v10;
	v53 =	vadd.s32 v7, v9  }
0x4c: {  	[tilespmem:s26+$0x10] =	vst v1;
	v54 =	vshrl.u32 v4, $0xD;
	v55 =	vand.u32 $0xFFFFC000, v4;
	v56 =	vshll.u32 v4, $0x1  }
0x4d: {  	[tilespmem:s26+$0x20] =	vst v0;
	v57 =	vand.u32 $0x1, v54;
	v58 =	vadd.s32 v55, v6;
	v4 =	vand.u32 $0x3FFE, v56  }
0x4e: {  	[tilespmem:s26+$0x30] =	vst v51;
	v1 =	vadd.s32 v4, v58;
	v59 =	vand.u32 $0xFFFFC000, v49;
	v60 =	vshll.u32 v49, $0x1  }
0x4f: {  	[tilespmem:s26+$0x40] =	vst v52;
	v61 =	vshrl.u32 v49, $0xD;
	v2 =	vadd.s32 v59, v50;
	v4 =	vand.u32 $0x3FFE, v60  }
0x50: {  	[tilespmem:s26+$0x50] =	vst v53;
	v0 =	vadd.s32 v57, v1;
	v62 =	vand.u32 $0x1, v61;
	v2 =	vadd.s32 v4, v2  }
0x51: {  	[tilespmem:s26+$0x60] =	vst v0;
	v63 =	vadd.s32 v62, v2  }
0x52: {  	[tilespmem:s26+$0x70] =	vst v63;
	s26 =	simm.s32 $0x0  }
0x53: {  	[tilespmem:s15], [sflag:$0x1] =	stream.indirect.gather [hbm4b:s4+s14], $0x40, s26, s14, $0xb8;
	[tilespmem:$0x16800] =	vst v63  }
0x54: {  	_ = 	snop  }
0x55: {  	[tilespmem:s16], [sflag:$0x1] =	stream.indirect.gather [hbm4b:s4+s14], $0x40, s14, s14, $0xb8;
	[tilespmem:$0x16800] =	vst v63  }
0x56: {  	s10 =	simm.s32 $0x100  }
0x57: {  	[tilespmem:s18], [sflag:$0x1] =	stream.indirect.gather [hbm4b:s4+s14], $0x40, s10, s14, $0xb8;
	[tilespmem:$0x16800] =	vst v63  }
0x58: {  	s13 =	simm.s32 $0x180  }
0x59: {  	[tilespmem:s20], [sflag:$0x1] =	stream.indirect.gather [hbm4b:s4+s14], $0x40, s13, s14, $0xb8;
	[tilespmem:$0x16800] =	vst v63  }
0x5a: {  	_ =	swait.ge [sflag:s21], $0x8000  }
0x5b: {  	[sflag:s21] =	ssyncset.done $0x0  }
0x5c: {  	[sflag:s21] =	ssyncadd.s32 $0xFFFF8000  }
0x5d: {  	[hbm4b:s8+s26] =	stream.linear.scatter [tilespmem:s15], [sflag:$0x3], $0x8000, $0x38;
	[tilespmem:$0x16800] =	vst v63  }
0x5e: {  	s17 =	simm.s32 $0x200  }
0x5f: {  	[tilespmem:s23], [sflag:$0x2] =	stream.indirect.gather [hbm4b:s4+s14], $0x40, s17, s14, $0xb8;
	[tilespmem:$0x16800] =	vst v63  }
0x60: {  	s13 =	simm.s32 $0x280  }
0x61: {  	[tilespmem:s25], [sflag:$0x2] =	stream.indirect.gather [hbm4b:s4+s14], $0x40, s13, s14, $0xb8;
	[tilespmem:$0x16800] =	vst v63  }
0x62: {  	s17 =	simm.s32 $0x300  }
0x63: {  	[tilespmem:s28], [sflag:$0x2] =	stream.indirect.gather [hbm4b:s4+s14], $0x40, s17, s14, $0xb8;
	[tilespmem:$0x16800] =	vst v63  }
0x64: {  	s13 =	simm.s32 $0x380  }
0x65: {  	[tilespmem:s30], [sflag:$0x2] =	stream.indirect.gather [hbm4b:s4+s14], $0x40, s13, s14, $0xb8;
	[tilespmem:$0x16800] =	vst v63  }
0x66: {  	_ =	swait.ge [sflag:s31], $0x8000  }
0x67: {  	[sflag:s31] =	ssyncset.done $0x0  }
0x68: {  	[sflag:s31] =	ssyncadd.s32 $0xFFFF8000  }
0x69: {  	[hbm4b:s9+s26] =	stream.linear.scatter [tilespmem:s23], [sflag:$0x4], $0x8000, $0x38;
	[tilespmem:$0x16800] =	vst v63  }
0x6a: {  	_ =	swait.ge [sflag:s1], $0x8000  }
0x6b: {  	[sflag:s1] =	ssyncset.done $0x0  }
0x6c: {  	s17 =	simm.s32 $0x400;
	[sflag:s1] =	ssyncadd.s32 $0xFFFF8000  }
0x6d: {  	[tilespmem:s15], [sflag:$0x1] =	stream.indirect.gather [hbm4b:s4+s14], $0x40, s17, s14, $0xb8;
	[tilespmem:$0x16800] =	vst v63  }
0x6e: {  	s13 =	simm.s32 $0x480  }
0x6f: {  	[tilespmem:s16], [sflag:$0x1] =	stream.indirect.gather [hbm4b:s4+s14], $0x40, s13, s14, $0xb8;
	[tilespmem:$0x16800] =	vst v63  }
0x70: {  	s17 =	simm.s32 $0x500  }
0x71: {  	[tilespmem:s18], [sflag:$0x1] =	stream.indirect.gather [hbm4b:s4+s14], $0x40, s17, s14, $0xb8;
	[tilespmem:$0x16800] =	vst v63  }
0x72: {  	s29 =	smov.u32 s11;
	s10 =	smov.u32 s0  }
0x73: {  	[tilespmem:s20], [sflag:$0x1] =	stream.indirect.gather [hbm4b:s4+s14], $0x40, s19, s14, $0xb8;
	[tilespmem:$0x16800] =	vst v63  }
.LBB2_4:
0x74: {  	_ =	swait.ge [sflag:s21], $0x8000  }
0x75: {  	s13 =	sshrl.u32 s10, $0x3;
	[sflag:s21] =	ssyncset.done $0x0  }
0x76: {  	s13 =	sadd.s32 s5, s13;
	[sflag:s21] =	ssyncadd.s32 $0xFFFF8000  }
0x77: {  	[hbm4b:s13+s2] =	stream.linear.scatter [tilespmem:s15], [sflag:$0x3], $0x8000, $0x38;
	[tilespmem:$0x16800] =	vst v63  }
0x78: {  	_ =	swait.ge [sflag:s22], $0x8000  }
0x79: {  	s13 =	sshra.s32 s26, $0x2;
	[sflag:s22] =	ssyncset.done $0x0  }
0x7a: {  	s17 =	sadd.s32 $0x600, s13;
	[sflag:s22] =	ssyncadd.s32 $0xFFFF8000  }
0x7b: {  	[tilespmem:s23], [sflag:$0x2] =	stream.indirect.gather [hbm4b:s4+s14], $0x40, s17, s14, $0xb8;
	[tilespmem:$0x16800] =	vst v63  }
0x7c: {  	s17 =	sadd.s32 $0x680, s13  }
0x7d: {  	[tilespmem:s25], [sflag:$0x2] =	stream.indirect.gather [hbm4b:s4+s14], $0x40, s17, s14, $0xb8;
	[tilespmem:$0x16800] =	vst v63  }
0x7e: {  	s17 =	sadd.s32 $0x700, s13  }
0x7f: {  	[tilespmem:s28], [sflag:$0x2] =	stream.indirect.gather [hbm4b:s4+s14], $0x40, s17, s14, $0xb8;
	[tilespmem:$0x16800] =	vst v63  }
0x80: {  	s17 =	sadd.s32 $0x780, s13  }
0x81: {  	[tilespmem:s30], [sflag:$0x2] =	stream.indirect.gather [hbm4b:s4+s14], $0x40, s17, s14, $0xb8;
	[tilespmem:$0x16800] =	vst v63  }
0x82: {  	_ =	swait.ge [sflag:s31], $0x8000  }
0x83: {  	p0 =	seq.s32 s26, $0xB000;
	[sflag:s31] =	ssyncset.done $0x0  }
.Ltmp3:
0x84: {  	[sflag:s31] =	ssyncadd.s32 $0xFFFF8000;
	(pc) =	sbr.rel @p0 .LBB2_6-.Ltmp3, $4  }
0x85: {  	[hbm4b:s29+s2] =	stream.linear.scatter [tilespmem:s23], [sflag:$0x4], $0x8000, $0x38;
	[tilespmem:$0x16800] =	vst v63  }
0x86: {  	_ =	swait.ge [sflag:s1], $0x8000  }
0x87: {  	[sflag:s1] =	ssyncset.done $0x0  }
0x88: {  	[sflag:s1] =	ssyncadd.s32 $0xFFFF8000  }
0x89: {  	s17 =	sadd.s32 $0x800, s13  }
0x8a: {  	[tilespmem:s15], [sflag:$0x1] =	stream.indirect.gather [hbm4b:s4+s14], $0x40, s17, s14, $0xb8;
	[tilespmem:$0x16800] =	vst v63  }
0x8b: {  	s17 =	sadd.s32 $0x880, s13  }
0x8c: {  	[tilespmem:s16], [sflag:$0x1] =	stream.indirect.gather [hbm4b:s4+s14], $0x40, s17, s14, $0xb8;
	[tilespmem:$0x16800] =	vst v63  }
.Ltmp4:
0x8d: {  	_ = 	snop;
	(pc) =	sbr.rel .LBB2_4-.Ltmp4, $4  }
0x8e: {  	s26 =	sadd.s32 $0x1000, s26;
	s17 =	sadd.s32 $0x900, s13  }
0x8f: {  	[tilespmem:s18], [sflag:$0x1] =	stream.indirect.gather [hbm4b:s4+s14], $0x40, s17, s14, $0xb8;
	[tilespmem:$0x16800] =	vst v63  }
0x90: {  	s10 =	sadd.s32 $0x10000, s10;
	s29 =	sadd.s32 $0x2000, s29;
	s17 =	sadd.s32 $0x980, s13  }
0x91: {  	[tilespmem:s20], [sflag:$0x1] =	stream.indirect.gather [hbm4b:s4+s14], $0x40, s17, s14, $0xb8;
	[tilespmem:$0x16800] =	vst v63  }
.LBB2_7:
0x92: {  	_ =	sfence.sel $0x180000  }
0x93: {  	[bflag:$0x0] =	sbarrier.arrive $0xFFFF  }
0x94: {  	_ =	strace $0x90000047  }
0x95: {  	s0 =	stileid.u32;
	[bflag:$0x2] =	sbarrier.arrive $0xFFFF  }
0x96: {  	p0 =	sne.s32 s0, $0x0;
	s0 =	rddreg [dreg:$0x2]  }
0x97: {  	s0 =	sadd.s32 @!p0 $0x100000, s0  }
0x98: {  	[sflag:s0] =	ssyncadd.tile.s32 @!p0 $0x1;
	_ =	shalt  }
.Lfunc_end2:
_tile_overlayer_lowered:
.L_overlay_start_2:
0x99: {  	(tag) =	ssettag $0x2  }
0x9a: {  	s0 =	rddreg [dreg:$0x0];
	s2 =	stileid.u32  }
0x9b: {  	s1 =	rddreg [dreg:$0x1];
	p0 =	sne.s32 s2, $0x0  }
0x9c: {  	s3 =	rddreg [dreg:$0x2];
	[bflag:$0x3] =	sbarrier.arrive $0xFFFF;
	s2 =	simm.s32 @!p0 $0x1C05  }
0x9d: {  	[timem:s3], [sflag:s2] =	dma.local @!p0 [hbm:s0], s1  }
0x9e: {  	s0 =	simm.s32 @!p0 $0x5  }
0x9f: {  	_ =	swait.ge @!p0 [sflag:s0], s1  }
0xa0: {  	s1 =	ssub.s32 @!p0 $0x0, s1;
	[sflag:s0] =	ssyncset.done @!p0 $0x0  }
0xa1: {  	[sflag:s0] =	ssyncadd.s32 @!p0 s1  }
0xa2: {  	[bflag:$0x3] =	sbarrier.arrive $0xFFFF  }
0xa3: {  	_ =	shalt  }

</sc_bundles>
